<compile_context>
chip_gen: v7x
topology: tpu7x:2x2x1
jax: 0.10.2.dev20260603
libtpu: 0.0.44.dev20260713+nightly
codegen_flags: <defaults>
</compile_context>

<pallas_src>
import functools

import jax
import jax.numpy as jnp
from jax import lax
from jax.experimental import pallas as pl
from jax.experimental.pallas import tpu as pltpu, tpu_sc as plsc

E = 8
T = 4096
K = 2
D = 1024
F = 2048
CAP = 1024
A = T * K

NC, NS, L = 2, 16, 16
NW = NC * NS

_MESH = dict(core_axis_name="c", subcore_axis_name="s",
             num_cores=NC, num_subcores=NS)


_AW = A // NS
_VJ = _AW // L


def _route1_body(idx_hbm, lp_hbm, hist_hbm, idx_v, lp_v, rc_v, stage_v):
    cid = lax.axis_index("c")
    sid = lax.axis_index("s")
    base = sid * _AW

    pltpu.sync_copy(idx_hbm.at[pl.ds(base, _AW)], idx_v)

    zero16 = jnp.zeros((L,), jnp.int32)
    lane = lax.iota(jnp.int32, L)

    def p1_step(j, rc):
        v = idx_v[pl.ds(j * L, L)]
        rc_v[...] = rc
        prev = plsc.load_gather(rc_v, [v])
        lp = zero16
        tot = zero16
        for e in range(E):
            m = v == e
            mi = jnp.where(m, 1, 0)
            cs = lax.cumsum(mi, axis=0)
            lp = jnp.where(m, cs - 1, lp)
            s = jnp.sum(mi)
            tot = jnp.where(lane == e, s, tot)
        lp_v[pl.ds(j * L, L)] = lp + prev
        return rc + tot

    hist = lax.fori_loop(0, _VJ, p1_step, zero16)
    stage_v[...] = hist

    @pl.when(cid == 0)
    def _():
        pltpu.sync_copy(lp_v, lp_hbm.at[pl.ds(base, _AW)])
        pltpu.sync_copy(stage_v, hist_hbm.at[sid])


def _route2_body(idx_hbm, sc_hbm, cap_hbm, lp_hbm, hist_hbm,
                 dstd_hbm, dstc_hbm, wts_hbm, cnt_hbm,
                 idx_v, sc_v, lp_v, allh_v, base_v,
                 outd_v, outc_v, outw_v, cap_v, stage_v):
    cid = lax.axis_index("c")
    sid = lax.axis_index("s")
    base = sid * _AW

    pltpu.sync_copy(idx_hbm.at[pl.ds(base, _AW)], idx_v)
    pltpu.sync_copy(sc_hbm.at[pl.ds(base, _AW)], sc_v)
    pltpu.sync_copy(cap_hbm, cap_v)
    pltpu.sync_copy(lp_hbm.at[pl.ds(base, _AW)], lp_v)
    pltpu.sync_copy(hist_hbm, allh_v)

    zero16 = jnp.zeros((L,), jnp.int32)
    bvec = zero16
    tvec = zero16
    for w in range(NS):
        row = allh_v[w]
        bvec = bvec + jnp.where(w < sid, row, zero16)
        tvec = tvec + row
    base_v[...] = bvec

    @pl.when(jnp.logical_and(cid == 0, sid == 0))
    def _():
        stage_v[...] = tvec
        pltpu.sync_copy(stage_v, cnt_hbm)

    capv = cap_v[...]

    def p2_step(j, carry):
        v = idx_v[pl.ds(j * L, L)]
        pos = lp_v[pl.ds(j * L, L)] + plsc.load_gather(base_v, [v])
        keep = pos < capv
        slot = jnp.where(keep, pos, CAP)
        outd_v[pl.ds(j * L, L)] = v * (CAP + 1) + slot
        outc_v[pl.ds(j * L, L)] = jnp.where(keep, v * CAP + pos, 0)
        sc = sc_v[pl.ds(j * L, L)]
        outw_v[pl.ds(j * L, L)] = jnp.where(keep, sc, jnp.zeros((L,), jnp.float32))
        return carry

    lax.fori_loop(0, _VJ, p2_step, 0)

    @pl.when(cid == 0)
    def _():
        pltpu.sync_copy(outd_v, dstd_hbm.at[pl.ds(base, _AW)])
        pltpu.sync_copy(outc_v, dstc_hbm.at[pl.ds(base, _AW)])
        pltpu.sync_copy(outw_v, wts_hbm.at[pl.ds(base, _AW)])


def _route(idx_flat, scores_flat, cap16):
    lp, hists = pl.kernel(
        _route1_body,
        out_type=(
            jax.ShapeDtypeStruct((A,), jnp.int32),
            jax.ShapeDtypeStruct((NS, L), jnp.int32),
        ),
        mesh=plsc.VectorSubcoreMesh(**_MESH),
        compiler_params=pltpu.CompilerParams(needs_layout_passes=False),
        scratch_types=[
            pltpu.VMEM((_AW,), jnp.int32),
            pltpu.VMEM((_AW,), jnp.int32),
            pltpu.VMEM((L,), jnp.int32),
            pltpu.VMEM((L,), jnp.int32),
        ],
    )(idx_flat)
    return pl.kernel(
        _route2_body,
        out_type=(
            jax.ShapeDtypeStruct((A,), jnp.int32),
            jax.ShapeDtypeStruct((A,), jnp.int32),
            jax.ShapeDtypeStruct((A,), jnp.float32),
            jax.ShapeDtypeStruct((L,), jnp.int32),
        ),
        mesh=plsc.VectorSubcoreMesh(**_MESH),
        compiler_params=pltpu.CompilerParams(needs_layout_passes=False),
        scratch_types=[
            pltpu.VMEM((_AW,), jnp.int32),
            pltpu.VMEM((_AW,), jnp.float32),
            pltpu.VMEM((_AW,), jnp.int32),
            pltpu.VMEM((NS, L), jnp.int32),
            pltpu.VMEM((L,), jnp.int32),
            pltpu.VMEM((_AW,), jnp.int32),
            pltpu.VMEM((_AW,), jnp.int32),
            pltpu.VMEM((_AW,), jnp.float32),
            pltpu.VMEM((L,), jnp.int32),
            pltpu.VMEM((L,), jnp.int32),
        ],
    )(idx_flat, scores_flat, cap16, lp, hists)


_TW = T // NW
_DR = 32
_NRD = _TW // _DR


def _dispatch_body(x_hbm, dstd_hbm, buf_hbm, dd_v, xv, ev, ov, sem):
    cid = lax.axis_index("c")
    sid = lax.axis_index("s")
    wid = sid * NC + cid
    abase = wid * _TW * K

    pltpu.sync_copy(dstd_hbm.at[pl.ds(abase, _TW * K)], dd_v)
    i0 = lax.iota(jnp.int32, L)

    def round_step(r, carry):
        off = r * _DR * K
        for h in range(_DR // L):
            sel = off + (h * L + i0) * K
            ev[pl.ds(h * L, L)] = plsc.load_gather(dd_v, [sel])
            ov[pl.ds(h * L, L)] = plsc.load_gather(dd_v, [sel + 1])
        pltpu.sync_copy(x_hbm.at[pl.ds(wid * _TW + r * _DR, _DR)], xv)
        pltpu.async_copy(xv, buf_hbm.at[ev], sem).wait()
        pltpu.async_copy(xv, buf_hbm.at[ov], sem).wait()
        return carry

    lax.fori_loop(0, _NRD, round_step, 0)


def _dispatch(x_flat, dstd):
    return pl.kernel(
        _dispatch_body,
        out_type=jax.ShapeDtypeStruct((E * (CAP + 1), D), jnp.float32),
        mesh=plsc.VectorSubcoreMesh(**_MESH),
        compiler_params=pltpu.CompilerParams(needs_layout_passes=False),
        scratch_types=[
            pltpu.VMEM((_TW * K,), jnp.int32),
            pltpu.VMEM((_DR, D), jnp.float32),
            pltpu.VMEM((_DR,), jnp.int32),
            pltpu.VMEM((_DR,), jnp.int32),
            pltpu.SemaphoreType.DMA,
        ],
    )(x_flat, dstd)


_BF = 512
_FB = F // _BF


def _ffn_body(buf_r, w1_r, b1_r, w2_r, b2_r, y_r):
    f = pl.program_id(1)
    x = buf_r[0].astype(jnp.bfloat16)
    h = jax.nn.gelu(
        jnp.dot(x, w1_r[0], preferred_element_type=jnp.float32) + b1_r[0, 0])
    contrib = jnp.dot(h.astype(jnp.bfloat16), w2_r[0],
                      preferred_element_type=jnp.float32)

    @pl.when(f == 0)
    def _():
        y_r[0] = contrib

    @pl.when(f > 0)
    def _():
        y_r[0] += contrib

    @pl.when(f == _FB - 1)
    def _():
        y_r[0] += b2_r[0, 0]


def _ffn(buf3, W1, B1, W2, B2):
    return pl.pallas_call(
        _ffn_body,
        grid=(E, _FB),
        in_specs=[
            pl.BlockSpec((1, CAP, D), lambda e, f: (e, 0, 0)),
            pl.BlockSpec((1, D, _BF), lambda e, f: (e, 0, f)),
            pl.BlockSpec((1, 1, _BF), lambda e, f: (e, 0, f)),
            pl.BlockSpec((1, _BF, D), lambda e, f: (e, f, 0)),
            pl.BlockSpec((1, 1, D), lambda e, f: (e, 0, 0)),
        ],
        out_specs=pl.BlockSpec((1, CAP, D), lambda e, f: (e, 0, 0)),
        out_shape=jax.ShapeDtypeStruct((E, CAP, D), jnp.float32),
    )(buf3, W1.astype(jnp.bfloat16), B1.reshape(E, 1, F),
      W2.astype(jnp.bfloat16), B2.reshape(E, 1, D))


_CR = 16
_NCR = _TW // _CR


def _cgather_body(y_hbm, dstc_hbm, yg_hbm, dc_v, idx0_v, idx1_v,
                  rv0, rv1, sem0, sem1):
    cid = lax.axis_index("c")
    sid = lax.axis_index("s")
    wid = sid * NC + cid
    tbase = wid * _TW

    pltpu.sync_copy(dstc_hbm.at[pl.ds(tbase * K, _TW * K)], dc_v)
    i0 = lax.iota(jnp.int32, L)

    def round_step(r, carry):
        sel = r * _CR * K + K * i0
        idx0_v[...] = plsc.load_gather(dc_v, [sel])
        idx1_v[...] = plsc.load_gather(dc_v, [sel + 1])
        c0 = pltpu.async_copy(y_hbm.at[idx0_v], rv0, sem0)
        c1 = pltpu.async_copy(y_hbm.at[idx1_v], rv1, sem1)
        c0.wait()
        pltpu.sync_copy(rv0, yg_hbm.at[pl.ds(tbase + r * _CR, _CR)])
        c1.wait()
        pltpu.sync_copy(rv1, yg_hbm.at[pl.ds(T + tbase + r * _CR, _CR)])
        return carry

    lax.fori_loop(0, _NCR, round_step, 0)


def _cgather(y2, dstc):
    return pl.kernel(
        _cgather_body,
        out_type=jax.ShapeDtypeStruct((K * T, D), jnp.float32),
        mesh=plsc.VectorSubcoreMesh(**_MESH),
        compiler_params=pltpu.CompilerParams(needs_layout_passes=False),
        scratch_types=[
            pltpu.VMEM((_TW * K,), jnp.int32),
            pltpu.VMEM((_CR,), jnp.int32),
            pltpu.VMEM((_CR,), jnp.int32),
            pltpu.VMEM((_CR, D), jnp.float32),
            pltpu.VMEM((_CR, D), jnp.float32),
            pltpu.SemaphoreType.DMA,
            pltpu.SemaphoreType.DMA,
        ],
    )(y2, dstc)


_WB = 512
_WGB = T // _WB


def _wsum_body(yg0_r, yg1_r, w_r, out_r):
    w = w_r[...]
    w0 = w[:, 0:1]
    w1 = w[:, 1:2]
    a = yg0_r[0]
    b = yg1_r[0]
    out_r[...] = (jnp.where(w0 > 0.0, w0 * a, 0.0)
                  + jnp.where(w1 > 0.0, w1 * b, 0.0))


def _wsum(yg3, wts2):
    return pl.pallas_call(
        _wsum_body,
        grid=(_WGB,),
        in_specs=[
            pl.BlockSpec((1, _WB, D), lambda i: (0, i, 0)),
            pl.BlockSpec((1, _WB, D), lambda i: (1, i, 0)),
            pl.BlockSpec((_WB, K), lambda i: (i, 0)),
        ],
        out_specs=pl.BlockSpec((_WB, D), lambda i: (i, 0)),
        out_shape=jax.ShapeDtypeStruct((T, D), jnp.float32),
    )(yg3, yg3, wts2)


def _combine(y2, dstc, wts):
    yg = _cgather(y2, dstc)
    return _wsum(yg.reshape(K, T, D), wts.reshape(T, K))


def kernel(x_flat, idx_flat, scores_flat, capacity, W1, B1, W2, B2):
    cap16 = jnp.full((L,), capacity, jnp.int32)
    dstd, dstc, wts, counts16 = _route(idx_flat, scores_flat, cap16)
    buf = _dispatch(x_flat, dstd)
    y = _ffn(buf.reshape(E, CAP + 1, D), W1, B1, W2, B2)
    out = _combine(y.reshape(E * CAP, D), dstc, wts)
    return out, counts16[:E]

# --- scband reference (transcript-rebuilt; emitter-appended) ---
"""Pipeline reference for scband-mo-edispatch-module-52544629899377 (READ-ONLY COPY).

The authoritative reference and input builder live on the scoring server;
editing this copy changes nothing except your own understanding.
"""

import jax, jax.numpy as jnp
import numpy as np

E = 8
T = 4096
K = 2
D = 1024
F = 2048
CAP = 1024


def setup_inputs(seed: int = 0) -> dict:
    key = jax.random.key(seed)
    ks = jax.random.split(key, 8)
    x_flat = jax.random.normal(ks[0], (T, D), dtype=jnp.float32)
    idx_flat = jax.random.randint(ks[1], (T * K,), 0, E, dtype=jnp.int32)
    scores_flat = jax.random.uniform(ks[2], (T * K,), dtype=jnp.float32)
    W1 = jax.random.normal(ks[3], (E, D, F), dtype=jnp.float32) * 0.02
    B1 = jnp.zeros((E, F), dtype=jnp.float32)
    W2 = jax.random.normal(ks[4], (E, F, D), dtype=jnp.float32) * 0.02
    B2 = jnp.zeros((E, D), dtype=jnp.float32)
    return {"x_flat": x_flat, "idx_flat": idx_flat, "scores_flat": scores_flat,
            "capacity": CAP, "W1": W1, "B1": B1, "W2": W2, "B2": B2}


def reference(x_flat, idx_flat, scores_flat, capacity, W1, B1, W2, B2):
    En = W1.shape[0]
    A = idx_flat.shape[0]
    Kk = A // x_flat.shape[0]
    d = x_flat.shape[1]
    token_ids = jnp.arange(A) // Kk
    # capacity-limited slot assignment: position of each assignment within its expert
    onehot = jax.nn.one_hot(idx_flat, En, dtype=jnp.int32)
    pos = jnp.sum(jnp.cumsum(onehot, axis=0) * onehot, axis=1) - 1
    keep = pos < capacity
    slot = jnp.where(keep, pos, capacity)  # dropped assignments routed to overflow slot
    # dispatch: scatter tokens into per-expert buffers [E, capacity+1, d]
    buf = jnp.zeros((En, CAP + 1, d), dtype=x_flat.dtype)
    buf = buf.at[idx_flat, slot].add(x_flat[token_ids])
    # per-expert FFN (banked weights)
    h = jax.nn.gelu(jnp.einsum('ecd,edf->ecf', buf, W1) + B1[:, None, :])
    y = jnp.einsum('ecf,efd->ecd', h, W2) + B2[:, None, :]
    # combine: gather expert outputs back, weight by gate scores, drop overflow
    y_a = y[idx_flat, slot] * scores_flat[:, None] * keep[:, None].astype(x_flat.dtype)
    out = jnp.zeros_like(x_flat).at[token_ids].add(y_a)
    # aux stats (hotlog analogue): per-expert assignment counts
    counts = jnp.bincount(idx_flat, length=En)
    return out, counts

if __name__ == "__main__":
    import jax
    _d = setup_inputs()
    print(jax.jit(kernel)(*tuple(_d.values())))

</pallas_src>

<mosaic_0001>
#map = affine_map<(d0, d1) -> (0)>
#map1 = affine_map<(d0, d1) -> (0, 0)>
module attributes {stable_mosaic.version = 14 : i64} {
  func.func @_route2_body(%arg0: i32, %arg1: i32, %arg2: memref<8192xi32, #tpu.memory_space<hbm>>, %arg3: memref<8192xf32, #tpu.memory_space<hbm>>, %arg4: memref<16xi32, #tpu.memory_space<hbm>>, %arg5: memref<8192xi32, #tpu.memory_space<hbm>>, %arg6: memref<16x16xi32, #tpu.memory_space<hbm>>, %arg7: memref<8192xi32, #tpu.memory_space<hbm>>, %arg8: memref<8192xi32, #tpu.memory_space<hbm>>, %arg9: memref<8192xf32, #tpu.memory_space<hbm>>, %arg10: memref<16xi32, #tpu.memory_space<hbm>>, %arg11: memref<512xi32, #tpu.memory_space<vmem>>, %arg12: memref<512xf32, #tpu.memory_space<vmem>>, %arg13: memref<512xi32, #tpu.memory_space<vmem>>, %arg14: memref<16x16xi32, #tpu.memory_space<vmem>>, %arg15: memref<16xi32, #tpu.memory_space<vmem>>, %arg16: memref<512xi32, #tpu.memory_space<vmem>>, %arg17: memref<512xi32, #tpu.memory_space<vmem>>, %arg18: memref<512xf32, #tpu.memory_space<vmem>>, %arg19: memref<16xi32, #tpu.memory_space<vmem>>, %arg20: memref<16xi32, #tpu.memory_space<vmem>>) attributes {dimension_semantics = [#tpu.dimension_semantics<core_parallel>, #tpu.dimension_semantics<subcore_parallel>], iteration_bounds = array<i64: 2, 16>, scalar_prefetch = 0 : i64, scratch_operands = 10 : i64, tpu.core_type = #tpu.core_type<sc_vector_subcore>, window_params = [{transform_indices = #map}, {transform_indices = #map}, {transform_indices = #map}, {transform_indices = #map}, {transform_indices = #map1}, {transform_indices = #map}, {transform_indices = #map}, {transform_indices = #map}, {transform_indices = #map}]} {
    %mul3A = arith.constant 512 : i32
    %mul3A_0 = arith.muli %arg1, %mul3A : i32
    "tpu.region"() ({
      %run_scoped3A = tpu.sem_alloc : memref<!tpu.dma_semaphore, #tpu.memory_space<semaphore_mem>>
      %dma_start3A = tpu.memref_slice %arg2[%mul3A_0] : memref<8192xi32, #tpu.memory_space<hbm>> -> memref<512xi32, #tpu.memory_space<hbm>>
      %dma_start3A_159 = tpu.memref_slice %arg2[%mul3A_0] : memref<8192xi32, #tpu.memory_space<hbm>> -> memref<512xi32, #tpu.memory_space<hbm>>
      tpu.enqueue_dma source(%dma_start3A_159 : memref<512xi32, #tpu.memory_space<hbm>>) target(%arg11 : memref<512xi32, #tpu.memory_space<vmem>>) target_semaphore(%run_scoped3A : memref<!tpu.dma_semaphore, #tpu.memory_space<semaphore_mem>>)
      %dma_wait3A = tpu.memref_slice %arg2[%mul3A_0] : memref<8192xi32, #tpu.memory_space<hbm>> -> memref<512xi32, #tpu.memory_space<hbm>>
      %dma_wait3A_160 = tpu.memref_slice %arg2[%mul3A_0] : memref<8192xi32, #tpu.memory_space<hbm>> -> memref<512xi32, #tpu.memory_space<hbm>>
      tpu.wait_dma2 semaphore(%run_scoped3A : memref<!tpu.dma_semaphore, #tpu.memory_space<semaphore_mem>>) src(%dma_wait3A_160 : memref<512xi32, #tpu.memory_space<hbm>>) dst(%arg11 : memref<512xi32, #tpu.memory_space<vmem>>)
      tpu.yield
    }) : () -> ()
    "tpu.region"() ({
      %run_scoped3A = tpu.sem_alloc : memref<!tpu.dma_semaphore, #tpu.memory_space<semaphore_mem>>
      %dma_start3A = tpu.memref_slice %arg3[%mul3A_0] : memref<8192xf32, #tpu.memory_space<hbm>> -> memref<512xf32, #tpu.memory_space<hbm>>
      %dma_start3A_159 = tpu.memref_slice %arg3[%mul3A_0] : memref<8192xf32, #tpu.memory_space<hbm>> -> memref<512xf32, #tpu.memory_space<hbm>>
      tpu.enqueue_dma source(%dma_start3A_159 : memref<512xf32, #tpu.memory_space<hbm>>) target(%arg12 : memref<512xf32, #tpu.memory_space<vmem>>) target_semaphore(%run_scoped3A : memref<!tpu.dma_semaphore, #tpu.memory_space<semaphore_mem>>)
      %dma_wait3A = tpu.memref_slice %arg3[%mul3A_0] : memref<8192xf32, #tpu.memory_space<hbm>> -> memref<512xf32, #tpu.memory_space<hbm>>
      %dma_wait3A_160 = tpu.memref_slice %arg3[%mul3A_0] : memref<8192xf32, #tpu.memory_space<hbm>> -> memref<512xf32, #tpu.memory_space<hbm>>
      tpu.wait_dma2 semaphore(%run_scoped3A : memref<!tpu.dma_semaphore, #tpu.memory_space<semaphore_mem>>) src(%dma_wait3A_160 : memref<512xf32, #tpu.memory_space<hbm>>) dst(%arg12 : memref<512xf32, #tpu.memory_space<vmem>>)
      tpu.yield
    }) : () -> ()
    "tpu.region"() ({
      %run_scoped3A = tpu.sem_alloc : memref<!tpu.dma_semaphore, #tpu.memory_space<semaphore_mem>>
      tpu.enqueue_dma source(%arg4 : memref<16xi32, #tpu.memory_space<hbm>>) target(%arg19 : memref<16xi32, #tpu.memory_space<vmem>>) target_semaphore(%run_scoped3A : memref<!tpu.dma_semaphore, #tpu.memory_space<semaphore_mem>>)
      tpu.wait_dma2 semaphore(%run_scoped3A : memref<!tpu.dma_semaphore, #tpu.memory_space<semaphore_mem>>) src(%arg4 : memref<16xi32, #tpu.memory_space<hbm>>) dst(%arg19 : memref<16xi32, #tpu.memory_space<vmem>>)
      tpu.yield
    }) : () -> ()
    "tpu.region"() ({
      %run_scoped3A = tpu.sem_alloc : memref<!tpu.dma_semaphore, #tpu.memory_space<semaphore_mem>>
      %dma_start3A = tpu.memref_slice %arg5[%mul3A_0] : memref<8192xi32, #tpu.memory_space<hbm>> -> memref<512xi32, #tpu.memory_space<hbm>>
      %dma_start3A_159 = tpu.memref_slice %arg5[%mul3A_0] : memref<8192xi32, #tpu.memory_space<hbm>> -> memref<512xi32, #tpu.memory_space<hbm>>
      tpu.enqueue_dma source(%dma_start3A_159 : memref<512xi32, #tpu.memory_space<hbm>>) target(%arg13 : memref<512xi32, #tpu.memory_space<vmem>>) target_semaphore(%run_scoped3A : memref<!tpu.dma_semaphore, #tpu.memory_space<semaphore_mem>>)
      %dma_wait3A = tpu.memref_slice %arg5[%mul3A_0] : memref<8192xi32, #tpu.memory_space<hbm>> -> memref<512xi32, #tpu.memory_space<hbm>>
      %dma_wait3A_160 = tpu.memref_slice %arg5[%mul3A_0] : memref<8192xi32, #tpu.memory_space<hbm>> -> memref<512xi32, #tpu.memory_space<hbm>>
      tpu.wait_dma2 semaphore(%run_scoped3A : memref<!tpu.dma_semaphore, #tpu.memory_space<semaphore_mem>>) src(%dma_wait3A_160 : memref<512xi32, #tpu.memory_space<hbm>>) dst(%arg13 : memref<512xi32, #tpu.memory_space<vmem>>)
      tpu.yield
    }) : () -> ()
    "tpu.region"() ({
      %run_scoped3A = tpu.sem_alloc : memref<!tpu.dma_semaphore, #tpu.memory_space<semaphore_mem>>
      tpu.enqueue_dma source(%arg6 : memref<16x16xi32, #tpu.memory_space<hbm>>) target(%arg14 : memref<16x16xi32, #tpu.memory_space<vmem>>) target_semaphore(%run_scoped3A : memref<!tpu.dma_semaphore, #tpu.memory_space<semaphore_mem>>)
      tpu.wait_dma2 semaphore(%run_scoped3A : memref<!tpu.dma_semaphore, #tpu.memory_space<semaphore_mem>>) src(%arg6 : memref<16x16xi32, #tpu.memory_space<hbm>>) dst(%arg14 : memref<16x16xi32, #tpu.memory_space<vmem>>)
      tpu.yield
    }) : () -> ()
    %broadcast_in_dim3A = arith.constant 0 : i32
    %broadcast_in_dim3A_1 = vector.broadcast %broadcast_in_dim3A : i32 to vector<16xi32>
    %get3A = arith.constant 0 : i32
    %get3A_2 = arith.index_cast %get3A : i32 to index
    %get3A_3 = arith.constant 0 : index
    %get3A_4 = tpu.vector_load %arg14[%get3A_2, %get3A_3] {strides = array<i32>} : memref<16x16xi32, #tpu.memory_space<vmem>>, vector<16xi32>,
    %gt3A = arith.constant 0 : i32
    %gt3A_5 = arith.cmpi sgt, %arg1, %gt3A : i32
    %select_n3A = arith.select %gt3A_5, %get3A_4, %broadcast_in_dim3A_1 : vector<16xi32>
    %add3A = arith.addi %broadcast_in_dim3A_1, %select_n3A : vector<16xi32>
    %add3A_6 = arith.addi %broadcast_in_dim3A_1, %get3A_4 : vector<16xi32>
    %get3A_7 = arith.constant 1 : i32
    %get3A_8 = arith.index_cast %get3A_7 : i32 to index
    %get3A_9 = arith.constant 0 : index
    %get3A_10 = tpu.vector_load %arg14[%get3A_8, %get3A_9] {strides = array<i32>} : memref<16x16xi32, #tpu.memory_space<vmem>>, vector<16xi32>,
    %gt3A_11 = arith.constant 1 : i32
    %gt3A_12 = arith.cmpi sgt, %arg1, %gt3A_11 : i32
    %select_n3A_13 = arith.select %gt3A_12, %get3A_10, %broadcast_in_dim3A_1 : vector<16xi32>
    %add3A_14 = arith.addi %add3A, %select_n3A_13 : vector<16xi32>
    %add3A_15 = arith.addi %add3A_6, %get3A_10 : vector<16xi32>
    %get3A_16 = arith.constant 2 : i32
    %get3A_17 = arith.index_cast %get3A_16 : i32 to index
    %get3A_18 = arith.constant 0 : index
    %get3A_19 = tpu.vector_load %arg14[%get3A_17, %get3A_18] {strides = array<i32>} : memref<16x16xi32, #tpu.memory_space<vmem>>, vector<16xi32>,
    %gt3A_20 = arith.constant 2 : i32
    %gt3A_21 = arith.cmpi sgt, %arg1, %gt3A_20 : i32
    %select_n3A_22 = arith.select %gt3A_21, %get3A_19, %broadcast_in_dim3A_1 : vector<16xi32>
    %add3A_23 = arith.addi %add3A_14, %select_n3A_22 : vector<16xi32>
    %add3A_24 = arith.addi %add3A_15, %get3A_19 : vector<16xi32>
    %get3A_25 = arith.constant 3 : i32
    %get3A_26 = arith.index_cast %get3A_25 : i32 to index
    %get3A_27 = arith.constant 0 : index
    %get3A_28 = tpu.vector_load %arg14[%get3A_26, %get3A_27] {strides = array<i32>} : memref<16x16xi32, #tpu.memory_space<vmem>>, vector<16xi32>,
    %gt3A_29 = arith.constant 3 : i32
    %gt3A_30 = arith.cmpi sgt, %arg1, %gt3A_29 : i32
    %select_n3A_31 = arith.select %gt3A_30, %get3A_28, %broadcast_in_dim3A_1 : vector<16xi32>
    %add3A_32 = arith.addi %add3A_23, %select_n3A_31 : vector<16xi32>
    %add3A_33 = arith.addi %add3A_24, %get3A_28 : vector<16xi32>
    %get3A_34 = arith.constant 4 : i32
    %get3A_35 = arith.index_cast %get3A_34 : i32 to index
    %get3A_36 = arith.constant 0 : index
    %get3A_37 = tpu.vector_load %arg14[%get3A_35, %get3A_36] {strides = array<i32>} : memref<16x16xi32, #tpu.memory_space<vmem>>, vector<16xi32>,
    %gt3A_38 = arith.constant 4 : i32
    %gt3A_39 = arith.cmpi sgt, %arg1, %gt3A_38 : i32
    %select_n3A_40 = arith.select %gt3A_39, %get3A_37, %broadcast_in_dim3A_1 : vector<16xi32>
    %add3A_41 = arith.addi %add3A_32, %select_n3A_40 : vector<16xi32>
    %add3A_42 = arith.addi %add3A_33, %get3A_37 : vector<16xi32>
    %get3A_43 = arith.constant 5 : i32
    %get3A_44 = arith.index_cast %get3A_43 : i32 to index
    %get3A_45 = arith.constant 0 : index
    %get3A_46 = tpu.vector_load %arg14[%get3A_44, %get3A_45] {strides = array<i32>} : memref<16x16xi32, #tpu.memory_space<vmem>>, vector<16xi32>,
    %gt3A_47 = arith.constant 5 : i32
    %gt3A_48 = arith.cmpi sgt, %arg1, %gt3A_47 : i32
    %select_n3A_49 = arith.select %gt3A_48, %get3A_46, %broadcast_in_dim3A_1 : vector<16xi32>
    %add3A_50 = arith.addi %add3A_41, %select_n3A_49 : vector<16xi32>
    %add3A_51 = arith.addi %add3A_42, %get3A_46 : vector<16xi32>
    %get3A_52 = arith.constant 6 : i32
    %get3A_53 = arith.index_cast %get3A_52 : i32 to index
    %get3A_54 = arith.constant 0 : index
    %get3A_55 = tpu.vector_load %arg14[%get3A_53, %get3A_54] {strides = array<i32>} : memref<16x16xi32, #tpu.memory_space<vmem>>, vector<16xi32>,
    %gt3A_56 = arith.constant 6 : i32
    %gt3A_57 = arith.cmpi sgt, %arg1, %gt3A_56 : i32
    %select_n3A_58 = arith.select %gt3A_57, %get3A_55, %broadcast_in_dim3A_1 : vector<16xi32>
    %add3A_59 = arith.addi %add3A_50, %select_n3A_58 : vector<16xi32>
    %add3A_60 = arith.addi %add3A_51, %get3A_55 : vector<16xi32>
    %get3A_61 = arith.constant 7 : i32
    %get3A_62 = arith.index_cast %get3A_61 : i32 to index
    %get3A_63 = arith.constant 0 : index
    %get3A_64 = tpu.vector_load %arg14[%get3A_62, %get3A_63] {strides = array<i32>} : memref<16x16xi32, #tpu.memory_space<vmem>>, vector<16xi32>,
    %gt3A_65 = arith.constant 7 : i32
    %gt3A_66 = arith.cmpi sgt, %arg1, %gt3A_65 : i32
    %select_n3A_67 = arith.select %gt3A_66, %get3A_64, %broadcast_in_dim3A_1 : vector<16xi32>
    %add3A_68 = arith.addi %add3A_59, %select_n3A_67 : vector<16xi32>
    %add3A_69 = arith.addi %add3A_60, %get3A_64 : vector<16xi32>
    %get3A_70 = arith.constant 8 : i32
    %get3A_71 = arith.index_cast %get3A_70 : i32 to index
    %get3A_72 = arith.constant 0 : index
    %get3A_73 = tpu.vector_load %arg14[%get3A_71, %get3A_72] {strides = array<i32>} : memref<16x16xi32, #tpu.memory_space<vmem>>, vector<16xi32>,
    %gt3A_74 = arith.constant 8 : i32
    %gt3A_75 = arith.cmpi sgt, %arg1, %gt3A_74 : i32
    %select_n3A_76 = arith.select %gt3A_75, %get3A_73, %broadcast_in_dim3A_1 : vector<16xi32>
    %add3A_77 = arith.addi %add3A_68, %select_n3A_76 : vector<16xi32>
    %add3A_78 = arith.addi %add3A_69, %get3A_73 : vector<16xi32>
    %get3A_79 = arith.constant 9 : i32
    %get3A_80 = arith.index_cast %get3A_79 : i32 to index
    %get3A_81 = arith.constant 0 : index
    %get3A_82 = tpu.vector_load %arg14[%get3A_80, %get3A_81] {strides = array<i32>} : memref<16x16xi32, #tpu.memory_space<vmem>>, vector<16xi32>,
    %gt3A_83 = arith.constant 9 : i32
    %gt3A_84 = arith.cmpi sgt, %arg1, %gt3A_83 : i32
    %select_n3A_85 = arith.select %gt3A_84, %get3A_82, %broadcast_in_dim3A_1 : vector<16xi32>
    %add3A_86 = arith.addi %add3A_77, %select_n3A_85 : vector<16xi32>
    %add3A_87 = arith.addi %add3A_78, %get3A_82 : vector<16xi32>
    %get3A_88 = arith.constant 10 : i32
    %get3A_89 = arith.index_cast %get3A_88 : i32 to index
    %get3A_90 = arith.constant 0 : index
    %get3A_91 = tpu.vector_load %arg14[%get3A_89, %get3A_90] {strides = array<i32>} : memref<16x16xi32, #tpu.memory_space<vmem>>, vector<16xi32>,
    %gt3A_92 = arith.constant 10 : i32
    %gt3A_93 = arith.cmpi sgt, %arg1, %gt3A_92 : i32
    %select_n3A_94 = arith.select %gt3A_93, %get3A_91, %broadcast_in_dim3A_1 : vector<16xi32>
    %add3A_95 = arith.addi %add3A_86, %select_n3A_94 : vector<16xi32>
    %add3A_96 = arith.addi %add3A_87, %get3A_91 : vector<16xi32>
    %get3A_97 = arith.constant 11 : i32
    %get3A_98 = arith.index_cast %get3A_97 : i32 to index
    %get3A_99 = arith.constant 0 : index
    %get3A_100 = tpu.vector_load %arg14[%get3A_98, %get3A_99] {strides = array<i32>} : memref<16x16xi32, #tpu.memory_space<vmem>>, vector<16xi32>,
    %gt3A_101 = arith.constant 11 : i32
    %gt3A_102 = arith.cmpi sgt, %arg1, %gt3A_101 : i32
    %select_n3A_103 = arith.select %gt3A_102, %get3A_100, %broadcast_in_dim3A_1 : vector<16xi32>
    %add3A_104 = arith.addi %add3A_95, %select_n3A_103 : vector<16xi32>
    %add3A_105 = arith.addi %add3A_96, %get3A_100 : vector<16xi32>
    %get3A_106 = arith.constant 12 : i32
    %get3A_107 = arith.index_cast %get3A_106 : i32 to index
    %get3A_108 = arith.constant 0 : index
    %get3A_109 = tpu.vector_load %arg14[%get3A_107, %get3A_108] {strides = array<i32>} : memref<16x16xi32, #tpu.memory_space<vmem>>, vector<16xi32>,
    %gt3A_110 = arith.constant 12 : i32
    %gt3A_111 = arith.cmpi sgt, %arg1, %gt3A_110 : i32
    %select_n3A_112 = arith.select %gt3A_111, %get3A_109, %broadcast_in_dim3A_1 : vector<16xi32>
    %add3A_113 = arith.addi %add3A_104, %select_n3A_112 : vector<16xi32>
    %add3A_114 = arith.addi %add3A_105, %get3A_109 : vector<16xi32>
    %get3A_115 = arith.constant 13 : i32
    %get3A_116 = arith.index_cast %get3A_115 : i32 to index
    %get3A_117 = arith.constant 0 : index
    %get3A_118 = tpu.vector_load %arg14[%get3A_116, %get3A_117] {strides = array<i32>} : memref<16x16xi32, #tpu.memory_space<vmem>>, vector<16xi32>,
    %gt3A_119 = arith.constant 13 : i32
    %gt3A_120 = arith.cmpi sgt, %arg1, %gt3A_119 : i32
    %select_n3A_121 = arith.select %gt3A_120, %get3A_118, %broadcast_in_dim3A_1 : vector<16xi32>
    %add3A_122 = arith.addi %add3A_113, %select_n3A_121 : vector<16xi32>
    %add3A_123 = arith.addi %add3A_114, %get3A_118 : vector<16xi32>
    %get3A_124 = arith.constant 14 : i32
    %get3A_125 = arith.index_cast %get3A_124 : i32 to index
    %get3A_126 = arith.constant 0 : index
    %get3A_127 = tpu.vector_load %arg14[%get3A_125, %get3A_126] {strides = array<i32>} : memref<16x16xi32, #tpu.memory_space<vmem>>, vector<16xi32>,
    %gt3A_128 = arith.constant 14 : i32
    %gt3A_129 = arith.cmpi sgt, %arg1, %gt3A_128 : i32
    %select_n3A_130 = arith.select %gt3A_129, %get3A_127, %broadcast_in_dim3A_1 : vector<16xi32>
    %add3A_131 = arith.addi %add3A_122, %select_n3A_130 : vector<16xi32>
    %add3A_132 = arith.addi %add3A_123, %get3A_127 : vector<16xi32>
    %get3A_133 = arith.constant 15 : i32
    %get3A_134 = arith.index_cast %get3A_133 : i32 to index
    %get3A_135 = arith.constant 0 : index
    %get3A_136 = tpu.vector_load %arg14[%get3A_134, %get3A_135] {strides = array<i32>} : memref<16x16xi32, #tpu.memory_space<vmem>>, vector<16xi32>,
    %gt3A_137 = arith.constant 15 : i32
    %gt3A_138 = arith.cmpi sgt, %arg1, %gt3A_137 : i32
    %select_n3A_139 = arith.select %gt3A_138, %get3A_136, %broadcast_in_dim3A_1 : vector<16xi32>
    %add3A_140 = arith.addi %add3A_131, %select_n3A_139 : vector<16xi32>
    %add3A_141 = arith.addi %add3A_132, %get3A_136 : vector<16xi32>
    %swap3A = arith.constant 0 : index
    %swap3A_142 = tpu.vector_load %arg15[%swap3A] {strides = array<i32>} : memref<16xi32, #tpu.memory_space<vmem>>, vector<16xi32>,
    tpu.vector_store %arg15[%swap3A], %add3A_140 {strides = array<i32>} : memref<16xi32, #tpu.memory_space<vmem>>, vector<16xi32>,
    %eq3A = arith.constant 0 : i32
    %eq3A_143 = arith.cmpi eq, %arg0, %eq3A : i32
    %eq3A_144 = arith.constant 0 : i32
    %eq3A_145 = arith.cmpi eq, %arg1, %eq3A_144 : i32
    %and3A = arith.andi %eq3A_143, %eq3A_145 : i1
    %convert_element_type3A = arith.extui %and3A : i1 to i32
    %cond3A = arith.constant 0 : i32
    %cond3A_146 = arith.cmpi ne, %convert_element_type3A, %cond3A : i32
    scf.if %cond3A_146 {
      %swap3A_159 = arith.constant 0 : index
      %swap3A_160 = tpu.vector_load %arg20[%swap3A_159] {strides = array<i32>} : memref<16xi32, #tpu.memory_space<vmem>>, vector<16xi32>,
      tpu.vector_store %arg20[%swap3A_159], %add3A_141 {strides = array<i32>} : memref<16xi32, #tpu.memory_space<vmem>>, vector<16xi32>,
      "tpu.region"() ({
        %run_scoped3A = tpu.sem_alloc : memref<!tpu.dma_semaphore, #tpu.memory_space<semaphore_mem>>
        tpu.enqueue_dma source(%arg20 : memref<16xi32, #tpu.memory_space<vmem>>) target(%arg10 : memref<16xi32, #tpu.memory_space<hbm>>) target_semaphore(%run_scoped3A : memref<!tpu.dma_semaphore, #tpu.memory_space<semaphore_mem>>)
        tpu.wait_dma2 semaphore(%run_scoped3A : memref<!tpu.dma_semaphore, #tpu.memory_space<semaphore_mem>>) src(%arg20 : memref<16xi32, #tpu.memory_space<vmem>>) dst(%arg10 : memref<16xi32, #tpu.memory_space<hbm>>)
        tpu.yield
      }) : () -> ()
    } else {
    }
    %get3A_147 = arith.constant 0 : index
    %get3A_148 = tpu.vector_load %arg19[%get3A_147] {strides = array<i32>} : memref<16xi32, #tpu.memory_space<vmem>>, vector<16xi32>,
    %scan3A = arith.constant 0 : i32
    %scan3A_149 = arith.constant 0 : i32
    %scan3A_150 = arith.constant 32 : i32
    %scan3A_151 = arith.addi %scan3A_149, %scan3A_150 : i32
    %scan3A_152 = arith.constant 1 : i32
    scf.for %scan3A_159 = %scan3A_149 to %scan3A_151 step %scan3A_152  : i32 {
      %mul3A_160 = arith.constant 16 : i32
      %mul3A_161 = arith.muli %scan3A_159, %mul3A_160 : i32
      %get3A_162 = arith.index_cast %mul3A_161 : i32 to index
      %get3A_163 = tpu.vector_load %arg11[%get3A_162] {strides = array<i32>} : memref<512xi32, #tpu.memory_space<vmem>>, vector<16xi32>,
      %mul3A_164 = arith.constant 16 : i32
      %mul3A_165 = arith.muli %scan3A_159, %mul3A_164 : i32
      %get3A_166 = arith.index_cast %mul3A_165 : i32 to index
      %get3A_167 = tpu.vector_load %arg13[%get3A_166] {strides = array<i32>} : memref<512xi32, #tpu.memory_space<vmem>>, vector<16xi32>,
      %gather3A = tpu.vector_load_idx %arg15[%get3A_163] : memref<16xi32, #tpu.memory_space<vmem>>[vector<16xi32>], vector<16xi32>,
      %add3A_168 = arith.addi %get3A_167, %gather3A : vector<16xi32>
      %lt3A = arith.cmpi slt, %add3A_168, %get3A_148 : vector<16xi32>
      %jit3A = arith.constant 1024 : i32
      %broadcast_in_dim3A_169 = vector.broadcast %jit3A : i32 to vector<16xi32>
      %select_n3A_170 = arith.select %lt3A, %add3A_168, %broadcast_in_dim3A_169 : vector<16xi1>, vector<16xi32>
      %mul3A_171 = arith.constant 1025 : i32
      %mul3A_172 = vector.broadcast %mul3A_171 : i32 to vector<16xi32>
      %mul3A_173 = arith.muli %get3A_163, %mul3A_172 : vector<16xi32>
      %add3A_174 = arith.addi %mul3A_173, %select_n3A_170 : vector<16xi32>
      %mul3A_175 = arith.constant 16 : i32
      %mul3A_176 = arith.muli %scan3A_159, %mul3A_175 : i32
      %swap3A_177 = arith.index_cast %mul3A_176 : i32 to index
      %swap3A_178 = tpu.vector_load %arg16[%swap3A_177] {strides = array<i32>} : memref<512xi32, #tpu.memory_space<vmem>>, vector<16xi32>,
      tpu.vector_store %arg16[%swap3A_177], %add3A_174 {strides = array<i32>} : memref<512xi32, #tpu.memory_space<vmem>>, vector<16xi32>,
      %mul3A_179 = arith.constant 1024 : i32
      %mul3A_180 = vector.broadcast %mul3A_179 : i32 to vector<16xi32>
      %mul3A_181 = arith.muli %get3A_163, %mul3A_180 : vector<16xi32>
      %add3A_182 = arith.addi %mul3A_181, %add3A_168 : vector<16xi32>
      %jit3A_183 = arith.constant 0 : i32
      %broadcast_in_dim3A_184 = vector.broadcast %jit3A_183 : i32 to vector<16xi32>
      %select_n3A_185 = arith.select %lt3A, %add3A_182, %broadcast_in_dim3A_184 : vector<16xi1>, vector<16xi32>
      %mul3A_186 = arith.constant 16 : i32
      %mul3A_187 = arith.muli %scan3A_159, %mul3A_186 : i32
      %swap3A_188 = arith.index_cast %mul3A_187 : i32 to index
      %swap3A_189 = tpu.vector_load %arg17[%swap3A_188] {strides = array<i32>} : memref<512xi32, #tpu.memory_space<vmem>>, vector<16xi32>,
      tpu.vector_store %arg17[%swap3A_188], %select_n3A_185 {strides = array<i32>} : memref<512xi32, #tpu.memory_space<vmem>>, vector<16xi32>,
      %mul3A_190 = arith.constant 16 : i32
      %mul3A_191 = arith.muli %scan3A_159, %mul3A_190 : i32
      %get3A_192 = arith.index_cast %mul3A_191 : i32 to index
      %get3A_193 = tpu.vector_load %arg12[%get3A_192] {strides = array<i32>} : memref<512xf32, #tpu.memory_space<vmem>>, vector<16xf32>,
      %broadcast_in_dim3A_194 = arith.constant 0.000000e+00 : f32
      %broadcast_in_dim3A_195 = vector.broadcast %broadcast_in_dim3A_194 : f32 to vector<16xf32>
      %select_n3A_196 = arith.select %lt3A, %get3A_193, %broadcast_in_dim3A_195 : vector<16xi1>, vector<16xf32>
      %mul3A_197 = arith.constant 16 : i32
      %mul3A_198 = arith.muli %scan3A_159, %mul3A_197 : i32
      %swap3A_199 = arith.index_cast %mul3A_198 : i32 to index
      %swap3A_200 = tpu.vector_load %arg18[%swap3A_199] {strides = array<i32>} : memref<512xf32, #tpu.memory_space<vmem>>, vector<16xf32>,
      tpu.vector_store %arg18[%swap3A_199], %select_n3A_196 {strides = array<i32>} : memref<512xf32, #tpu.memory_space<vmem>>, vector<16xf32>,
    }
    %scan3A_153 = arith.constant 32 : i32
    %eq3A_154 = arith.constant 0 : i32
    %eq3A_155 = arith.cmpi eq, %arg0, %eq3A_154 : i32
    %convert_element_type3A_156 = arith.extui %eq3A_155 : i1 to i32
    %cond3A_157 = arith.constant 0 : i32
    %cond3A_158 = arith.cmpi ne, %convert_element_type3A_156, %cond3A_157 : i32
    scf.if %cond3A_158 {
      "tpu.region"() ({
        %run_scoped3A = tpu.sem_alloc : memref<!tpu.dma_semaphore, #tpu.memory_space<semaphore_mem>>
        %dma_start3A = tpu.memref_slice %arg7[%mul3A_0] : memref<8192xi32, #tpu.memory_space<hbm>> -> memref<512xi32, #tpu.memory_space<hbm>>
        %dma_start3A_159 = tpu.memref_slice %arg7[%mul3A_0] : memref<8192xi32, #tpu.memory_space<hbm>> -> memref<512xi32, #tpu.memory_space<hbm>>
        tpu.enqueue_dma source(%arg16 : memref<512xi32, #tpu.memory_space<vmem>>) target(%dma_start3A_159 : memref<512xi32, #tpu.memory_space<hbm>>) target_semaphore(%run_scoped3A : memref<!tpu.dma_semaphore, #tpu.memory_space<semaphore_mem>>)
        %dma_wait3A = tpu.memref_slice %arg7[%mul3A_0] : memref<8192xi32, #tpu.memory_space<hbm>> -> memref<512xi32, #tpu.memory_space<hbm>>
        %dma_wait3A_160 = tpu.memref_slice %arg7[%mul3A_0] : memref<8192xi32, #tpu.memory_space<hbm>> -> memref<512xi32, #tpu.memory_space<hbm>>
        tpu.wait_dma2 semaphore(%run_scoped3A : memref<!tpu.dma_semaphore, #tpu.memory_space<semaphore_mem>>) src(%arg16 : memref<512xi32, #tpu.memory_space<vmem>>) dst(%dma_wait3A_160 : memref<512xi32, #tpu.memory_space<hbm>>)
        tpu.yield
      }) : () -> ()
      "tpu.region"() ({
        %run_scoped3A = tpu.sem_alloc : memref<!tpu.dma_semaphore, #tpu.memory_space<semaphore_mem>>
        %dma_start3A = tpu.memref_slice %arg8[%mul3A_0] : memref<8192xi32, #tpu.memory_space<hbm>> -> memref<512xi32, #tpu.memory_space<hbm>>
        %dma_start3A_159 = tpu.memref_slice %arg8[%mul3A_0] : memref<8192xi32, #tpu.memory_space<hbm>> -> memref<512xi32, #tpu.memory_space<hbm>>
        tpu.enqueue_dma source(%arg17 : memref<512xi32, #tpu.memory_space<vmem>>) target(%dma_start3A_159 : memref<512xi32, #tpu.memory_space<hbm>>) target_semaphore(%run_scoped3A : memref<!tpu.dma_semaphore, #tpu.memory_space<semaphore_mem>>)
        %dma_wait3A = tpu.memref_slice %arg8[%mul3A_0] : memref<8192xi32, #tpu.memory_space<hbm>> -> memref<512xi32, #tpu.memory_space<hbm>>
        %dma_wait3A_160 = tpu.memref_slice %arg8[%mul3A_0] : memref<8192xi32, #tpu.memory_space<hbm>> -> memref<512xi32, #tpu.memory_space<hbm>>
        tpu.wait_dma2 semaphore(%run_scoped3A : memref<!tpu.dma_semaphore, #tpu.memory_space<semaphore_mem>>) src(%arg17 : memref<512xi32, #tpu.memory_space<vmem>>) dst(%dma_wait3A_160 : memref<512xi32, #tpu.memory_space<hbm>>)
        tpu.yield
      }) : () -> ()
      "tpu.region"() ({
        %run_scoped3A = tpu.sem_alloc : memref<!tpu.dma_semaphore, #tpu.memory_space<semaphore_mem>>
        %dma_start3A = tpu.memref_slice %arg9[%mul3A_0] : memref<8192xf32, #tpu.memory_space<hbm>> -> memref<512xf32, #tpu.memory_space<hbm>>
        %dma_start3A_159 = tpu.memref_slice %arg9[%mul3A_0] : memref<8192xf32, #tpu.memory_space<hbm>> -> memref<512xf32, #tpu.memory_space<hbm>>
        tpu.enqueue_dma source(%arg18 : memref<512xf32, #tpu.memory_space<vmem>>) target(%dma_start3A_159 : memref<512xf32, #tpu.memory_space<hbm>>) target_semaphore(%run_scoped3A : memref<!tpu.dma_semaphore, #tpu.memory_space<semaphore_mem>>)
        %dma_wait3A = tpu.memref_slice %arg9[%mul3A_0] : memref<8192xf32, #tpu.memory_space<hbm>> -> memref<512xf32, #tpu.memory_space<hbm>>
        %dma_wait3A_160 = tpu.memref_slice %arg9[%mul3A_0] : memref<8192xf32, #tpu.memory_space<hbm>> -> memref<512xf32, #tpu.memory_space<hbm>>
        tpu.wait_dma2 semaphore(%run_scoped3A : memref<!tpu.dma_semaphore, #tpu.memory_space<semaphore_mem>>) src(%arg18 : memref<512xf32, #tpu.memory_space<vmem>>) dst(%dma_wait3A_160 : memref<512xf32, #tpu.memory_space<hbm>>)
        tpu.yield
      }) : () -> ()
    } else {
    }
    return
  }
}

#map = affine_map<(d0, d1) -> (0)>
#map1 = affine_map<(d0, d1) -> (0, 0)>
module attributes {stable_mosaic.version = 14 : i64} {
  func.func @_route1_body(%arg0: i32, %arg1: i32, %arg2: memref<8192xi32, #tpu.memory_space<hbm>>, %arg3: memref<8192xi32, #tpu.memory_space<hbm>>, %arg4: memref<16x16xi32, #tpu.memory_space<hbm>>, %arg5: memref<512xi32, #tpu.memory_space<vmem>>, %arg6: memref<512xi32, #tpu.memory_space<vmem>>, %arg7: memref<16xi32, #tpu.memory_space<vmem>>, %arg8: memref<16xi32, #tpu.memory_space<vmem>>) attributes {dimension_semantics = [#tpu.dimension_semantics<core_parallel>, #tpu.dimension_semantics<subcore_parallel>], iteration_bounds = array<i64: 2, 16>, scalar_prefetch = 0 : i64, scratch_operands = 4 : i64, tpu.core_type = #tpu.core_type<sc_vector_subcore>, window_params = [{transform_indices = #map}, {transform_indices = #map}, {transform_indices = #map1}]} {
    %mul3A = arith.constant 512 : i32
    %mul3A_0 = arith.muli %arg1, %mul3A : i32
    "tpu.region"() ({
      %run_scoped3A = tpu.sem_alloc : memref<!tpu.dma_semaphore, #tpu.memory_space<semaphore_mem>>
      %dma_start3A = tpu.memref_slice %arg2[%mul3A_0] : memref<8192xi32, #tpu.memory_space<hbm>> -> memref<512xi32, #tpu.memory_space<hbm>>
      %dma_start3A_10 = tpu.memref_slice %arg2[%mul3A_0] : memref<8192xi32, #tpu.memory_space<hbm>> -> memref<512xi32, #tpu.memory_space<hbm>>
      tpu.enqueue_dma source(%dma_start3A_10 : memref<512xi32, #tpu.memory_space<hbm>>) target(%arg5 : memref<512xi32, #tpu.memory_space<vmem>>) target_semaphore(%run_scoped3A : memref<!tpu.dma_semaphore, #tpu.memory_space<semaphore_mem>>)
      %dma_wait3A = tpu.memref_slice %arg2[%mul3A_0] : memref<8192xi32, #tpu.memory_space<hbm>> -> memref<512xi32, #tpu.memory_space<hbm>>
      %dma_wait3A_11 = tpu.memref_slice %arg2[%mul3A_0] : memref<8192xi32, #tpu.memory_space<hbm>> -> memref<512xi32, #tpu.memory_space<hbm>>
      tpu.wait_dma2 semaphore(%run_scoped3A : memref<!tpu.dma_semaphore, #tpu.memory_space<semaphore_mem>>) src(%dma_wait3A_11 : memref<512xi32, #tpu.memory_space<hbm>>) dst(%arg5 : memref<512xi32, #tpu.memory_space<vmem>>)
      tpu.yield
    }) : () -> ()
    %broadcast_in_dim3A = arith.constant 0 : i32
    %broadcast_in_dim3A_1 = vector.broadcast %broadcast_in_dim3A : i32 to vector<16xi32>
    %iota3A = tpu.iota {dimensions = array<i32: 0>} : vector<16xi32>
    %scan3A = arith.constant 0 : i32
    %scan3A_2 = arith.constant 32 : i32
    %scan3A_3 = arith.addi %scan3A, %scan3A_2 : i32
    %scan3A_4 = arith.constant 1 : i32
    %scan3A_5 = scf.for %scan3A_10 = %scan3A to %scan3A_3 step %scan3A_4 iter_args(%scan3A_11 = %broadcast_in_dim3A_1) -> (vector<16xi32>)  : i32 {
      %mul3A_12 = arith.constant 16 : i32
      %mul3A_13 = arith.muli %scan3A_10, %mul3A_12 : i32
      %get3A = arith.index_cast %mul3A_13 : i32 to index
      %get3A_14 = tpu.vector_load %arg5[%get3A] {strides = array<i32>} : memref<512xi32, #tpu.memory_space<vmem>>, vector<16xi32>,
      %swap3A_15 = arith.constant 0 : index
      %swap3A_16 = tpu.vector_load %arg7[%swap3A_15] {strides = array<i32>} : memref<16xi32, #tpu.memory_space<vmem>>, vector<16xi32>,
      tpu.vector_store %arg7[%swap3A_15], %scan3A_11 {strides = array<i32>} : memref<16xi32, #tpu.memory_space<vmem>>, vector<16xi32>,
      %gather3A = tpu.vector_load_idx %arg7[%get3A_14] : memref<16xi32, #tpu.memory_space<vmem>>[vector<16xi32>], vector<16xi32>,
      %eq3A_17 = arith.constant 0 : i32
      %eq3A_18 = vector.broadcast %eq3A_17 : i32 to vector<16xi32>
      %eq3A_19 = arith.cmpi eq, %get3A_14, %eq3A_18 : vector<16xi32>
      %jit3A = arith.constant 1 : i32
      %jit3A_20 = arith.constant 0 : i32
      %broadcast_in_dim3A_21 = vector.broadcast %jit3A : i32 to vector<16xi32>
      %broadcast_in_dim3A_22 = vector.broadcast %jit3A_20 : i32 to vector<16xi32>
      %select_n3A = arith.select %eq3A_19, %broadcast_in_dim3A_21, %broadcast_in_dim3A_22 : vector<16xi1>, vector<16xi32>
      %cumsum3A = arith.constant true
      %cumsum3A_23 = vector.broadcast %cumsum3A : i1 to vector<16xi1>
      %cumsum3A_24 = tpu.scan <sum>, %select_n3A masked %cumsum3A_23 : vector<16xi32>, vector<16xi1> -> vector<16xi32>
      %sub3A = arith.constant 1 : i32
      %sub3A_25 = vector.broadcast %sub3A : i32 to vector<16xi32>
      %sub3A_26 = arith.subi %cumsum3A_24, %sub3A_25 : vector<16xi32>
      %select_n3A_27 = arith.select %eq3A_19, %sub3A_26, %broadcast_in_dim3A_1 : vector<16xi1>, vector<16xi32>
      %reduce_sum3A = arith.constant true
      %reduce_sum3A_28 = vector.broadcast %reduce_sum3A : i1 to vector<16xi1>
      %reduce_sum3A_29 = tpu.scan <sum>, %select_n3A masked %reduce_sum3A_28 : vector<16xi32>, vector<16xi1> -> vector<16xi32>
      %reduce_sum3A_30 = vector.extract %reduce_sum3A_29[15] : i32 from vector<16xi32>
      %eq3A_31 = arith.constant 0 : i32
      %eq3A_32 = vector.broadcast %eq3A_31 : i32 to vector<16xi32>
      %eq3A_33 = arith.cmpi eq, %iota3A, %eq3A_32 : vector<16xi32>
      %broadcast_in_dim3A_34 = vector.broadcast %reduce_sum3A_30 : i32 to vector<16xi32>
      %select_n3A_35 = arith.select %eq3A_33, %broadcast_in_dim3A_34, %broadcast_in_dim3A_1 : vector<16xi1>, vector<16xi32>
      %eq3A_36 = arith.constant 1 : i32
      %eq3A_37 = vector.broadcast %eq3A_36 : i32 to vector<16xi32>
      %eq3A_38 = arith.cmpi eq, %get3A_14, %eq3A_37 : vector<16xi32>
      %jit3A_39 = arith.constant 1 : i32
      %jit3A_40 = arith.constant 0 : i32
      %broadcast_in_dim3A_41 = vector.broadcast %jit3A_39 : i32 to vector<16xi32>
      %broadcast_in_dim3A_42 = vector.broadcast %jit3A_40 : i32 to vector<16xi32>
      %select_n3A_43 = arith.select %eq3A_38, %broadcast_in_dim3A_41, %broadcast_in_dim3A_42 : vector<16xi1>, vector<16xi32>
      %cumsum3A_44 = arith.constant true
      %cumsum3A_45 = vector.broadcast %cumsum3A_44 : i1 to vector<16xi1>
      %cumsum3A_46 = tpu.scan <sum>, %select_n3A_43 masked %cumsum3A_45 : vector<16xi32>, vector<16xi1> -> vector<16xi32>
      %sub3A_47 = arith.constant 1 : i32
      %sub3A_48 = vector.broadcast %sub3A_47 : i32 to vector<16xi32>
      %sub3A_49 = arith.subi %cumsum3A_46, %sub3A_48 : vector<16xi32>
      %select_n3A_50 = arith.select %eq3A_38, %sub3A_49, %select_n3A_27 : vector<16xi1>, vector<16xi32>
      %reduce_sum3A_51 = arith.constant true
      %reduce_sum3A_52 = vector.broadcast %reduce_sum3A_51 : i1 to vector<16xi1>
      %reduce_sum3A_53 = tpu.scan <sum>, %select_n3A_43 masked %reduce_sum3A_52 : vector<16xi32>, vector<16xi1> -> vector<16xi32>
      %reduce_sum3A_54 = vector.extract %reduce_sum3A_53[15] : i32 from vector<16xi32>
      %eq3A_55 = arith.constant 1 : i32
      %eq3A_56 = vector.broadcast %eq3A_55 : i32 to vector<16xi32>
      %eq3A_57 = arith.cmpi eq, %iota3A, %eq3A_56 : vector<16xi32>
      %broadcast_in_dim3A_58 = vector.broadcast %reduce_sum3A_54 : i32 to vector<16xi32>
      %select_n3A_59 = arith.select %eq3A_57, %broadcast_in_dim3A_58, %select_n3A_35 : vector<16xi1>, vector<16xi32>
      %eq3A_60 = arith.constant 2 : i32
      %eq3A_61 = vector.broadcast %eq3A_60 : i32 to vector<16xi32>
      %eq3A_62 = arith.cmpi eq, %get3A_14, %eq3A_61 : vector<16xi32>
      %jit3A_63 = arith.constant 1 : i32
      %jit3A_64 = arith.constant 0 : i32
      %broadcast_in_dim3A_65 = vector.broadcast %jit3A_63 : i32 to vector<16xi32>
      %broadcast_in_dim3A_66 = vector.broadcast %jit3A_64 : i32 to vector<16xi32>
      %select_n3A_67 = arith.select %eq3A_62, %broadcast_in_dim3A_65, %broadcast_in_dim3A_66 : vector<16xi1>, vector<16xi32>
      %cumsum3A_68 = arith.constant true
      %cumsum3A_69 = vector.broadcast %cumsum3A_68 : i1 to vector<16xi1>
      %cumsum3A_70 = tpu.scan <sum>, %select_n3A_67 masked %cumsum3A_69 : vector<16xi32>, vector<16xi1> -> vector<16xi32>
      %sub3A_71 = arith.constant 1 : i32
      %sub3A_72 = vector.broadcast %sub3A_71 : i32 to vector<16xi32>
      %sub3A_73 = arith.subi %cumsum3A_70, %sub3A_72 : vector<16xi32>
      %select_n3A_74 = arith.select %eq3A_62, %sub3A_73, %select_n3A_50 : vector<16xi1>, vector<16xi32>
      %reduce_sum3A_75 = arith.constant true
      %reduce_sum3A_76 = vector.broadcast %reduce_sum3A_75 : i1 to vector<16xi1>
      %reduce_sum3A_77 = tpu.scan <sum>, %select_n3A_67 masked %reduce_sum3A_76 : vector<16xi32>, vector<16xi1> -> vector<16xi32>
      %reduce_sum3A_78 = vector.extract %reduce_sum3A_77[15] : i32 from vector<16xi32>
      %eq3A_79 = arith.constant 2 : i32
      %eq3A_80 = vector.broadcast %eq3A_79 : i32 to vector<16xi32>
      %eq3A_81 = arith.cmpi eq, %iota3A, %eq3A_80 : vector<16xi32>
      %broadcast_in_dim3A_82 = vector.broadcast %reduce_sum3A_78 : i32 to vector<16xi32>
      %select_n3A_83 = arith.select %eq3A_81, %broadcast_in_dim3A_82, %select_n3A_59 : vector<16xi1>, vector<16xi32>
      %eq3A_84 = arith.constant 3 : i32
      %eq3A_85 = vector.broadcast %eq3A_84 : i32 to vector<16xi32>
      %eq3A_86 = arith.cmpi eq, %get3A_14, %eq3A_85 : vector<16xi32>
      %jit3A_87 = arith.constant 1 : i32
      %jit3A_88 = arith.constant 0 : i32
      %broadcast_in_dim3A_89 = vector.broadcast %jit3A_87 : i32 to vector<16xi32>
      %broadcast_in_dim3A_90 = vector.broadcast %jit3A_88 : i32 to vector<16xi32>
      %select_n3A_91 = arith.select %eq3A_86, %broadcast_in_dim3A_89, %broadcast_in_dim3A_90 : vector<16xi1>, vector<16xi32>
      %cumsum3A_92 = arith.constant true
      %cumsum3A_93 = vector.broadcast %cumsum3A_92 : i1 to vector<16xi1>
      %cumsum3A_94 = tpu.scan <sum>, %select_n3A_91 masked %cumsum3A_93 : vector<16xi32>, vector<16xi1> -> vector<16xi32>
      %sub3A_95 = arith.constant 1 : i32
      %sub3A_96 = vector.broadcast %sub3A_95 : i32 to vector<16xi32>
      %sub3A_97 = arith.subi %cumsum3A_94, %sub3A_96 : vector<16xi32>
      %select_n3A_98 = arith.select %eq3A_86, %sub3A_97, %select_n3A_74 : vector<16xi1>, vector<16xi32>
      %reduce_sum3A_99 = arith.constant true
      %reduce_sum3A_100 = vector.broadcast %reduce_sum3A_99 : i1 to vector<16xi1>
      %reduce_sum3A_101 = tpu.scan <sum>, %select_n3A_91 masked %reduce_sum3A_100 : vector<16xi32>, vector<16xi1> -> vector<16xi32>
      %reduce_sum3A_102 = vector.extract %reduce_sum3A_101[15] : i32 from vector<16xi32>
      %eq3A_103 = arith.constant 3 : i32
      %eq3A_104 = vector.broadcast %eq3A_103 : i32 to vector<16xi32>
      %eq3A_105 = arith.cmpi eq, %iota3A, %eq3A_104 : vector<16xi32>
      %broadcast_in_dim3A_106 = vector.broadcast %reduce_sum3A_102 : i32 to vector<16xi32>
      %select_n3A_107 = arith.select %eq3A_105, %broadcast_in_dim3A_106, %select_n3A_83 : vector<16xi1>, vector<16xi32>
      %eq3A_108 = arith.constant 4 : i32
      %eq3A_109 = vector.broadcast %eq3A_108 : i32 to vector<16xi32>
      %eq3A_110 = arith.cmpi eq, %get3A_14, %eq3A_109 : vector<16xi32>
      %jit3A_111 = arith.constant 1 : i32
      %jit3A_112 = arith.constant 0 : i32
      %broadcast_in_dim3A_113 = vector.broadcast %jit3A_111 : i32 to vector<16xi32>
      %broadcast_in_dim3A_114 = vector.broadcast %jit3A_112 : i32 to vector<16xi32>
      %select_n3A_115 = arith.select %eq3A_110, %broadcast_in_dim3A_113, %broadcast_in_dim3A_114 : vector<16xi1>, vector<16xi32>
      %cumsum3A_116 = arith.constant true
      %cumsum3A_117 = vector.broadcast %cumsum3A_116 : i1 to vector<16xi1>
      %cumsum3A_118 = tpu.scan <sum>, %select_n3A_115 masked %cumsum3A_117 : vector<16xi32>, vector<16xi1> -> vector<16xi32>
      %sub3A_119 = arith.constant 1 : i32
      %sub3A_120 = vector.broadcast %sub3A_119 : i32 to vector<16xi32>
      %sub3A_121 = arith.subi %cumsum3A_118, %sub3A_120 : vector<16xi32>
      %select_n3A_122 = arith.select %eq3A_110, %sub3A_121, %select_n3A_98 : vector<16xi1>, vector<16xi32>
      %reduce_sum3A_123 = arith.constant true
      %reduce_sum3A_124 = vector.broadcast %reduce_sum3A_123 : i1 to vector<16xi1>
      %reduce_sum3A_125 = tpu.scan <sum>, %select_n3A_115 masked %reduce_sum3A_124 : vector<16xi32>, vector<16xi1> -> vector<16xi32>
      %reduce_sum3A_126 = vector.extract %reduce_sum3A_125[15] : i32 from vector<16xi32>
      %eq3A_127 = arith.constant 4 : i32
      %eq3A_128 = vector.broadcast %eq3A_127 : i32 to vector<16xi32>
      %eq3A_129 = arith.cmpi eq, %iota3A, %eq3A_128 : vector<16xi32>
      %broadcast_in_dim3A_130 = vector.broadcast %reduce_sum3A_126 : i32 to vector<16xi32>
      %select_n3A_131 = arith.select %eq3A_129, %broadcast_in_dim3A_130, %select_n3A_107 : vector<16xi1>, vector<16xi32>
      %eq3A_132 = arith.constant 5 : i32
      %eq3A_133 = vector.broadcast %eq3A_132 : i32 to vector<16xi32>
      %eq3A_134 = arith.cmpi eq, %get3A_14, %eq3A_133 : vector<16xi32>
      %jit3A_135 = arith.constant 1 : i32
      %jit3A_136 = arith.constant 0 : i32
      %broadcast_in_dim3A_137 = vector.broadcast %jit3A_135 : i32 to vector<16xi32>
      %broadcast_in_dim3A_138 = vector.broadcast %jit3A_136 : i32 to vector<16xi32>
      %select_n3A_139 = arith.select %eq3A_134, %broadcast_in_dim3A_137, %broadcast_in_dim3A_138 : vector<16xi1>, vector<16xi32>
      %cumsum3A_140 = arith.constant true
      %cumsum3A_141 = vector.broadcast %cumsum3A_140 : i1 to vector<16xi1>
      %cumsum3A_142 = tpu.scan <sum>, %select_n3A_139 masked %cumsum3A_141 : vector<16xi32>, vector<16xi1> -> vector<16xi32>
      %sub3A_143 = arith.constant 1 : i32
      %sub3A_144 = vector.broadcast %sub3A_143 : i32 to vector<16xi32>
      %sub3A_145 = arith.subi %cumsum3A_142, %sub3A_144 : vector<16xi32>
      %select_n3A_146 = arith.select %eq3A_134, %sub3A_145, %select_n3A_122 : vector<16xi1>, vector<16xi32>
      %reduce_sum3A_147 = arith.constant true
      %reduce_sum3A_148 = vector.broadcast %reduce_sum3A_147 : i1 to vector<16xi1>
      %reduce_sum3A_149 = tpu.scan <sum>, %select_n3A_139 masked %reduce_sum3A_148 : vector<16xi32>, vector<16xi1> -> vector<16xi32>
      %reduce_sum3A_150 = vector.extract %reduce_sum3A_149[15] : i32 from vector<16xi32>
      %eq3A_151 = arith.constant 5 : i32
      %eq3A_152 = vector.broadcast %eq3A_151 : i32 to vector<16xi32>
      %eq3A_153 = arith.cmpi eq, %iota3A, %eq3A_152 : vector<16xi32>
      %broadcast_in_dim3A_154 = vector.broadcast %reduce_sum3A_150 : i32 to vector<16xi32>
      %select_n3A_155 = arith.select %eq3A_153, %broadcast_in_dim3A_154, %select_n3A_131 : vector<16xi1>, vector<16xi32>
      %eq3A_156 = arith.constant 6 : i32
      %eq3A_157 = vector.broadcast %eq3A_156 : i32 to vector<16xi32>
      %eq3A_158 = arith.cmpi eq, %get3A_14, %eq3A_157 : vector<16xi32>
      %jit3A_159 = arith.constant 1 : i32
      %jit3A_160 = arith.constant 0 : i32
      %broadcast_in_dim3A_161 = vector.broadcast %jit3A_159 : i32 to vector<16xi32>
      %broadcast_in_dim3A_162 = vector.broadcast %jit3A_160 : i32 to vector<16xi32>
      %select_n3A_163 = arith.select %eq3A_158, %broadcast_in_dim3A_161, %broadcast_in_dim3A_162 : vector<16xi1>, vector<16xi32>
      %cumsum3A_164 = arith.constant true
      %cumsum3A_165 = vector.broadcast %cumsum3A_164 : i1 to vector<16xi1>
      %cumsum3A_166 = tpu.scan <sum>, %select_n3A_163 masked %cumsum3A_165 : vector<16xi32>, vector<16xi1> -> vector<16xi32>
      %sub3A_167 = arith.constant 1 : i32
      %sub3A_168 = vector.broadcast %sub3A_167 : i32 to vector<16xi32>
      %sub3A_169 = arith.subi %cumsum3A_166, %sub3A_168 : vector<16xi32>
      %select_n3A_170 = arith.select %eq3A_158, %sub3A_169, %select_n3A_146 : vector<16xi1>, vector<16xi32>
      %reduce_sum3A_171 = arith.constant true
      %reduce_sum3A_172 = vector.broadcast %reduce_sum3A_171 : i1 to vector<16xi1>
      %reduce_sum3A_173 = tpu.scan <sum>, %select_n3A_163 masked %reduce_sum3A_172 : vector<16xi32>, vector<16xi1> -> vector<16xi32>
      %reduce_sum3A_174 = vector.extract %reduce_sum3A_173[15] : i32 from vector<16xi32>
      %eq3A_175 = arith.constant 6 : i32
      %eq3A_176 = vector.broadcast %eq3A_175 : i32 to vector<16xi32>
      %eq3A_177 = arith.cmpi eq, %iota3A, %eq3A_176 : vector<16xi32>
      %broadcast_in_dim3A_178 = vector.broadcast %reduce_sum3A_174 : i32 to vector<16xi32>
      %select_n3A_179 = arith.select %eq3A_177, %broadcast_in_dim3A_178, %select_n3A_155 : vector<16xi1>, vector<16xi32>
      %eq3A_180 = arith.constant 7 : i32
      %eq3A_181 = vector.broadcast %eq3A_180 : i32 to vector<16xi32>
      %eq3A_182 = arith.cmpi eq, %get3A_14, %eq3A_181 : vector<16xi32>
      %jit3A_183 = arith.constant 1 : i32
      %jit3A_184 = arith.constant 0 : i32
      %broadcast_in_dim3A_185 = vector.broadcast %jit3A_183 : i32 to vector<16xi32>
      %broadcast_in_dim3A_186 = vector.broadcast %jit3A_184 : i32 to vector<16xi32>
      %select_n3A_187 = arith.select %eq3A_182, %broadcast_in_dim3A_185, %broadcast_in_dim3A_186 : vector<16xi1>, vector<16xi32>
      %cumsum3A_188 = arith.constant true
      %cumsum3A_189 = vector.broadcast %cumsum3A_188 : i1 to vector<16xi1>
      %cumsum3A_190 = tpu.scan <sum>, %select_n3A_187 masked %cumsum3A_189 : vector<16xi32>, vector<16xi1> -> vector<16xi32>
      %sub3A_191 = arith.constant 1 : i32
      %sub3A_192 = vector.broadcast %sub3A_191 : i32 to vector<16xi32>
      %sub3A_193 = arith.subi %cumsum3A_190, %sub3A_192 : vector<16xi32>
      %select_n3A_194 = arith.select %eq3A_182, %sub3A_193, %select_n3A_170 : vector<16xi1>, vector<16xi32>
      %reduce_sum3A_195 = arith.constant true
      %reduce_sum3A_196 = vector.broadcast %reduce_sum3A_195 : i1 to vector<16xi1>
      %reduce_sum3A_197 = tpu.scan <sum>, %select_n3A_187 masked %reduce_sum3A_196 : vector<16xi32>, vector<16xi1> -> vector<16xi32>
      %reduce_sum3A_198 = vector.extract %reduce_sum3A_197[15] : i32 from vector<16xi32>
      %eq3A_199 = arith.constant 7 : i32
      %eq3A_200 = vector.broadcast %eq3A_199 : i32 to vector<16xi32>
      %eq3A_201 = arith.cmpi eq, %iota3A, %eq3A_200 : vector<16xi32>
      %broadcast_in_dim3A_202 = vector.broadcast %reduce_sum3A_198 : i32 to vector<16xi32>
      %select_n3A_203 = arith.select %eq3A_201, %broadcast_in_dim3A_202, %select_n3A_179 : vector<16xi1>, vector<16xi32>
      %add3A = arith.addi %select_n3A_194, %gather3A : vector<16xi32>
      %mul3A_204 = arith.constant 16 : i32
      %mul3A_205 = arith.muli %scan3A_10, %mul3A_204 : i32
      %swap3A_206 = arith.index_cast %mul3A_205 : i32 to index
      %swap3A_207 = tpu.vector_load %arg6[%swap3A_206] {strides = array<i32>} : memref<512xi32, #tpu.memory_space<vmem>>, vector<16xi32>,
      tpu.vector_store %arg6[%swap3A_206], %add3A {strides = array<i32>} : memref<512xi32, #tpu.memory_space<vmem>>, vector<16xi32>,
      %add3A_208 = arith.addi %scan3A_11, %select_n3A_203 : vector<16xi32>
      scf.yield %add3A_208 : vector<16xi32>
    }
    %scan3A_6 = arith.constant 32 : i32
    %swap3A = arith.constant 0 : index
    %swap3A_7 = tpu.vector_load %arg8[%swap3A] {strides = array<i32>} : memref<16xi32, #tpu.memory_space<vmem>>, vector<16xi32>,
    tpu.vector_store %arg8[%swap3A], %scan3A_5 {strides = array<i32>} : memref<16xi32, #tpu.memory_space<vmem>>, vector<16xi32>,
    %eq3A = arith.constant 0 : i32
    %eq3A_8 = arith.cmpi eq, %arg0, %eq3A : i32
    %convert_element_type3A = arith.extui %eq3A_8 : i1 to i32
    %cond3A = arith.constant 0 : i32
    %cond3A_9 = arith.cmpi ne, %convert_element_type3A, %cond3A : i32
    scf.if %cond3A_9 {
      "tpu.region"() ({
        %run_scoped3A = tpu.sem_alloc : memref<!tpu.dma_semaphore, #tpu.memory_space<semaphore_mem>>
        %dma_start3A = tpu.memref_slice %arg3[%mul3A_0] : memref<8192xi32, #tpu.memory_space<hbm>> -> memref<512xi32, #tpu.memory_space<hbm>>
        %dma_start3A_10 = tpu.memref_slice %arg3[%mul3A_0] : memref<8192xi32, #tpu.memory_space<hbm>> -> memref<512xi32, #tpu.memory_space<hbm>>
        tpu.enqueue_dma source(%arg6 : memref<512xi32, #tpu.memory_space<vmem>>) target(%dma_start3A_10 : memref<512xi32, #tpu.memory_space<hbm>>) target_semaphore(%run_scoped3A : memref<!tpu.dma_semaphore, #tpu.memory_space<semaphore_mem>>)
        %dma_wait3A = tpu.memref_slice %arg3[%mul3A_0] : memref<8192xi32, #tpu.memory_space<hbm>> -> memref<512xi32, #tpu.memory_space<hbm>>
        %dma_wait3A_11 = tpu.memref_slice %arg3[%mul3A_0] : memref<8192xi32, #tpu.memory_space<hbm>> -> memref<512xi32, #tpu.memory_space<hbm>>
        tpu.wait_dma2 semaphore(%run_scoped3A : memref<!tpu.dma_semaphore, #tpu.memory_space<semaphore_mem>>) src(%arg6 : memref<512xi32, #tpu.memory_space<vmem>>) dst(%dma_wait3A_11 : memref<512xi32, #tpu.memory_space<hbm>>)
        tpu.yield
      }) : () -> ()
      "tpu.region"() ({
        %run_scoped3A = tpu.sem_alloc : memref<!tpu.dma_semaphore, #tpu.memory_space<semaphore_mem>>
        %dma_start3A = arith.constant 0 : i32
        %dma_start3A_10 = tpu.memref_slice %arg4[%arg1, %dma_start3A] : memref<16x16xi32, #tpu.memory_space<hbm>> -> memref<1x16xi32, #tpu.memory_space<hbm>>
        %dma_start3A_11 = tpu.memref_squeeze %dma_start3A_10 : memref<1x16xi32, #tpu.memory_space<hbm>> -> memref<16xi32, #tpu.memory_space<hbm>>
        %dma_start3A_12 = arith.constant 0 : i32
        %dma_start3A_13 = tpu.memref_slice %arg4[%arg1, %dma_start3A_12] : memref<16x16xi32, #tpu.memory_space<hbm>> -> memref<1x16xi32, #tpu.memory_space<hbm>>
        %dma_start3A_14 = tpu.memref_squeeze %dma_start3A_13 : memref<1x16xi32, #tpu.memory_space<hbm>> -> memref<16xi32, #tpu.memory_space<hbm>>
        tpu.enqueue_dma source(%arg8 : memref<16xi32, #tpu.memory_space<vmem>>) target(%dma_start3A_14 : memref<16xi32, #tpu.memory_space<hbm>>) target_semaphore(%run_scoped3A : memref<!tpu.dma_semaphore, #tpu.memory_space<semaphore_mem>>)
        %dma_wait3A = arith.constant 0 : i32
        %dma_wait3A_15 = tpu.memref_slice %arg4[%arg1, %dma_wait3A] : memref<16x16xi32, #tpu.memory_space<hbm>> -> memref<1x16xi32, #tpu.memory_space<hbm>>
        %dma_wait3A_16 = tpu.memref_squeeze %dma_wait3A_15 : memref<1x16xi32, #tpu.memory_space<hbm>> -> memref<16xi32, #tpu.memory_space<hbm>>
        %dma_wait3A_17 = arith.constant 0 : i32
        %dma_wait3A_18 = tpu.memref_slice %arg4[%arg1, %dma_wait3A_17] : memref<16x16xi32, #tpu.memory_space<hbm>> -> memref<1x16xi32, #tpu.memory_space<hbm>>
        %dma_wait3A_19 = tpu.memref_squeeze %dma_wait3A_18 : memref<1x16xi32, #tpu.memory_space<hbm>> -> memref<16xi32, #tpu.memory_space<hbm>>
        tpu.wait_dma2 semaphore(%run_scoped3A : memref<!tpu.dma_semaphore, #tpu.memory_space<semaphore_mem>>) src(%arg8 : memref<16xi32, #tpu.memory_space<vmem>>) dst(%dma_wait3A_19 : memref<16xi32, #tpu.memory_space<hbm>>)
        tpu.yield
      }) : () -> ()
    } else {
    }
    return
  }
}

#map = affine_map<(d0, d1) -> (0, 0)>
#map1 = affine_map<(d0, d1) -> (0)>
module attributes {stable_mosaic.version = 14 : i64} {
  func.func @_dispatch_body(%arg0: i32, %arg1: i32, %arg2: memref<4096x1024xf32, #tpu.memory_space<hbm>>, %arg3: memref<8192xi32, #tpu.memory_space<hbm>>, %arg4: memref<8200x1024xf32, #tpu.memory_space<hbm>>, %arg5: memref<256xi32, #tpu.memory_space<vmem>>, %arg6: memref<32x1024xf32, #tpu.memory_space<vmem>>, %arg7: memref<32xi32, #tpu.memory_space<vmem>>, %arg8: memref<32xi32, #tpu.memory_space<vmem>>, %arg9: memref<!tpu.dma_semaphore, #tpu.memory_space<semaphore_mem>>) attributes {dimension_semantics = [#tpu.dimension_semantics<core_parallel>, #tpu.dimension_semantics<subcore_parallel>], iteration_bounds = array<i64: 2, 16>, scalar_prefetch = 0 : i64, scratch_operands = 5 : i64, tpu.core_type = #tpu.core_type<sc_vector_subcore>, window_params = [{transform_indices = #map}, {transform_indices = #map1}, {transform_indices = #map}]} {
    %mul3A = arith.constant 2 : i32
    %mul3A_0 = arith.muli %arg1, %mul3A : i32
    %add3A = arith.addi %mul3A_0, %arg0 : i32
    %mul3A_1 = arith.constant 128 : i32
    %mul3A_2 = arith.muli %add3A, %mul3A_1 : i32
    %mul3A_3 = arith.constant 2 : i32
    %mul3A_4 = arith.muli %mul3A_2, %mul3A_3 : i32
    "tpu.region"() ({
      %run_scoped3A = tpu.sem_alloc : memref<!tpu.dma_semaphore, #tpu.memory_space<semaphore_mem>>
      %dma_start3A = tpu.memref_slice %arg3[%mul3A_4] : memref<8192xi32, #tpu.memory_space<hbm>> -> memref<256xi32, #tpu.memory_space<hbm>>
      %dma_start3A_10 = tpu.memref_slice %arg3[%mul3A_4] : memref<8192xi32, #tpu.memory_space<hbm>> -> memref<256xi32, #tpu.memory_space<hbm>>
      tpu.enqueue_dma source(%dma_start3A_10 : memref<256xi32, #tpu.memory_space<hbm>>) target(%arg5 : memref<256xi32, #tpu.memory_space<vmem>>) target_semaphore(%run_scoped3A : memref<!tpu.dma_semaphore, #tpu.memory_space<semaphore_mem>>)
      %dma_wait3A = tpu.memref_slice %arg3[%mul3A_4] : memref<8192xi32, #tpu.memory_space<hbm>> -> memref<256xi32, #tpu.memory_space<hbm>>
      %dma_wait3A_11 = tpu.memref_slice %arg3[%mul3A_4] : memref<8192xi32, #tpu.memory_space<hbm>> -> memref<256xi32, #tpu.memory_space<hbm>>
      tpu.wait_dma2 semaphore(%run_scoped3A : memref<!tpu.dma_semaphore, #tpu.memory_space<semaphore_mem>>) src(%dma_wait3A_11 : memref<256xi32, #tpu.memory_space<hbm>>) dst(%arg5 : memref<256xi32, #tpu.memory_space<vmem>>)
      tpu.yield
    }) : () -> ()
    %iota3A = tpu.iota {dimensions = array<i32: 0>} : vector<16xi32>
    %scan3A = arith.constant 0 : i32
    %scan3A_5 = arith.constant 0 : i32
    %scan3A_6 = arith.constant 4 : i32
    %scan3A_7 = arith.addi %scan3A_5, %scan3A_6 : i32
    %scan3A_8 = arith.constant 1 : i32
    scf.for %scan3A_10 = %scan3A_5 to %scan3A_7 step %scan3A_8  : i32 {
      %mul3A_11 = arith.constant 32 : i32
      %mul3A_12 = arith.muli %scan3A_10, %mul3A_11 : i32
      %mul3A_13 = arith.constant 2 : i32
      %mul3A_14 = arith.muli %mul3A_12, %mul3A_13 : i32
      %add3A_15 = arith.constant 0 : i32
      %add3A_16 = vector.broadcast %add3A_15 : i32 to vector<16xi32>
      %add3A_17 = arith.addi %add3A_16, %iota3A : vector<16xi32>
      %mul3A_18 = arith.constant 2 : i32
      %mul3A_19 = vector.broadcast %mul3A_18 : i32 to vector<16xi32>
      %mul3A_20 = arith.muli %add3A_17, %mul3A_19 : vector<16xi32>
      %add3A_21 = vector.broadcast %mul3A_14 : i32 to vector<16xi32>
      %add3A_22 = arith.addi %add3A_21, %mul3A_20 : vector<16xi32>
      %gather3A = tpu.vector_load_idx %arg5[%add3A_22] : memref<256xi32, #tpu.memory_space<vmem>>[vector<16xi32>], vector<16xi32>,
      %swap3A = arith.constant 0 : index
      %swap3A_23 = tpu.vector_load %arg7[%swap3A] {strides = array<i32>} : memref<32xi32, #tpu.memory_space<vmem>>, vector<16xi32>,
      tpu.vector_store %arg7[%swap3A], %gather3A {strides = array<i32>} : memref<32xi32, #tpu.memory_space<vmem>>, vector<16xi32>,
      %add3A_24 = arith.constant 1 : i32
      %add3A_25 = vector.broadcast %add3A_24 : i32 to vector<16xi32>
      %add3A_26 = arith.addi %add3A_22, %add3A_25 : vector<16xi32>
      %gather3A_27 = tpu.vector_load_idx %arg5[%add3A_26] : memref<256xi32, #tpu.memory_space<vmem>>[vector<16xi32>], vector<16xi32>,
      %swap3A_28 = arith.constant 0 : index
      %swap3A_29 = tpu.vector_load %arg8[%swap3A_28] {strides = array<i32>} : memref<32xi32, #tpu.memory_space<vmem>>, vector<16xi32>,
      tpu.vector_store %arg8[%swap3A_28], %gather3A_27 {strides = array<i32>} : memref<32xi32, #tpu.memory_space<vmem>>, vector<16xi32>,
      %add3A_30 = arith.constant 16 : i32
      %add3A_31 = vector.broadcast %add3A_30 : i32 to vector<16xi32>
      %add3A_32 = arith.addi %add3A_31, %iota3A : vector<16xi32>
      %mul3A_33 = arith.constant 2 : i32
      %mul3A_34 = vector.broadcast %mul3A_33 : i32 to vector<16xi32>
      %mul3A_35 = arith.muli %add3A_32, %mul3A_34 : vector<16xi32>
      %add3A_36 = vector.broadcast %mul3A_14 : i32 to vector<16xi32>
      %add3A_37 = arith.addi %add3A_36, %mul3A_35 : vector<16xi32>
      %gather3A_38 = tpu.vector_load_idx %arg5[%add3A_37] : memref<256xi32, #tpu.memory_space<vmem>>[vector<16xi32>], vector<16xi32>,
      %swap3A_39 = arith.constant 16 : index
      %swap3A_40 = tpu.vector_load %arg7[%swap3A_39] {strides = array<i32>} : memref<32xi32, #tpu.memory_space<vmem>>, vector<16xi32>,
      tpu.vector_store %arg7[%swap3A_39], %gather3A_38 {strides = array<i32>} : memref<32xi32, #tpu.memory_space<vmem>>, vector<16xi32>,
      %add3A_41 = arith.constant 1 : i32
      %add3A_42 = vector.broadcast %add3A_41 : i32 to vector<16xi32>
      %add3A_43 = arith.addi %add3A_37, %add3A_42 : vector<16xi32>
      %gather3A_44 = tpu.vector_load_idx %arg5[%add3A_43] : memref<256xi32, #tpu.memory_space<vmem>>[vector<16xi32>], vector<16xi32>,
      %swap3A_45 = arith.constant 16 : index
      %swap3A_46 = tpu.vector_load %arg8[%swap3A_45] {strides = array<i32>} : memref<32xi32, #tpu.memory_space<vmem>>, vector<16xi32>,
      tpu.vector_store %arg8[%swap3A_45], %gather3A_44 {strides = array<i32>} : memref<32xi32, #tpu.memory_space<vmem>>, vector<16xi32>,
      %mul3A_47 = arith.constant 128 : i32
      %mul3A_48 = arith.muli %add3A, %mul3A_47 : i32
      %mul3A_49 = arith.constant 32 : i32
      %mul3A_50 = arith.muli %scan3A_10, %mul3A_49 : i32
      %add3A_51 = arith.addi %mul3A_48, %mul3A_50 : i32
      "tpu.region"() ({
        %run_scoped3A = tpu.sem_alloc : memref<!tpu.dma_semaphore, #tpu.memory_space<semaphore_mem>>
        %dma_start3A_62 = arith.constant 0 : i32
        %dma_start3A_63 = tpu.memref_slice %arg2[%add3A_51, %dma_start3A_62] : memref<4096x1024xf32, #tpu.memory_space<hbm>> -> memref<32x1024xf32, #tpu.memory_space<hbm>>
        %dma_start3A_64 = arith.constant 0 : i32
        %dma_start3A_65 = tpu.memref_slice %arg2[%add3A_51, %dma_start3A_64] : memref<4096x1024xf32, #tpu.memory_space<hbm>> -> memref<32x1024xf32, #tpu.memory_space<hbm>>
        tpu.enqueue_dma source(%dma_start3A_65 : memref<32x1024xf32, #tpu.memory_space<hbm>>) target(%arg6 : memref<32x1024xf32, #tpu.memory_space<vmem>>) target_semaphore(%run_scoped3A : memref<!tpu.dma_semaphore, #tpu.memory_space<semaphore_mem>>)
        %dma_wait3A_66 = arith.constant 0 : i32
        %dma_wait3A_67 = tpu.memref_slice %arg2[%add3A_51, %dma_wait3A_66] : memref<4096x1024xf32, #tpu.memory_space<hbm>> -> memref<32x1024xf32, #tpu.memory_space<hbm>>
        %dma_wait3A_68 = arith.constant 0 : i32
        %dma_wait3A_69 = tpu.memref_slice %arg2[%add3A_51, %dma_wait3A_68] : memref<4096x1024xf32, #tpu.memory_space<hbm>> -> memref<32x1024xf32, #tpu.memory_space<hbm>>
        tpu.wait_dma2 semaphore(%run_scoped3A : memref<!tpu.dma_semaphore, #tpu.memory_space<semaphore_mem>>) src(%dma_wait3A_69 : memref<32x1024xf32, #tpu.memory_space<hbm>>) dst(%arg6 : memref<32x1024xf32, #tpu.memory_space<vmem>>)
        tpu.yield
      }) : () -> ()
      %dma_start3A = arith.constant 0 : i32
      %dma_start3A_52 = arith.constant 0 : i32
      %dma_start3A_53 = tpu.memref_slice %arg4[%dma_start3A, %dma_start3A_52] : memref<8200x1024xf32, #tpu.memory_space<hbm>> -> memref<8200x1024xf32, #tpu.memory_space<hbm>>
      tpu.enqueue_indirect_dma source(%arg6 : memref<32x1024xf32, #tpu.memory_space<vmem>>) target(%dma_start3A_53 : memref<8200x1024xf32, #tpu.memory_space<hbm>>) offsets(%arg7 : memref<32xi32, #tpu.memory_space<vmem>>) semaphore(%arg9 : memref<!tpu.dma_semaphore, #tpu.memory_space<semaphore_mem>>)
      %dma_wait3A = arith.constant 0 : i32
      %dma_wait3A_54 = arith.constant 0 : i32
      %dma_wait3A_55 = tpu.memref_slice %arg4[%dma_wait3A, %dma_wait3A_54] : memref<8200x1024xf32, #tpu.memory_space<hbm>> -> memref<8200x1024xf32, #tpu.memory_space<hbm>>
      tpu.wait_indirect_dma semaphore(%arg9 : memref<!tpu.dma_semaphore, #tpu.memory_space<semaphore_mem>>) src(%arg6 : memref<32x1024xf32, #tpu.memory_space<vmem>>) dst(%dma_wait3A_55 : memref<8200x1024xf32, #tpu.memory_space<hbm>>)
      %dma_start3A_56 = arith.constant 0 : i32
      %dma_start3A_57 = arith.constant 0 : i32
      %dma_start3A_58 = tpu.memref_slice %arg4[%dma_start3A_56, %dma_start3A_57] : memref<8200x1024xf32, #tpu.memory_space<hbm>> -> memref<8200x1024xf32, #tpu.memory_space<hbm>>
      tpu.enqueue_indirect_dma source(%arg6 : memref<32x1024xf32, #tpu.memory_space<vmem>>) target(%dma_start3A_58 : memref<8200x1024xf32, #tpu.memory_space<hbm>>) offsets(%arg8 : memref<32xi32, #tpu.memory_space<vmem>>) semaphore(%arg9 : memref<!tpu.dma_semaphore, #tpu.memory_space<semaphore_mem>>)
      %dma_wait3A_59 = arith.constant 0 : i32
      %dma_wait3A_60 = arith.constant 0 : i32
      %dma_wait3A_61 = tpu.memref_slice %arg4[%dma_wait3A_59, %dma_wait3A_60] : memref<8200x1024xf32, #tpu.memory_space<hbm>> -> memref<8200x1024xf32, #tpu.memory_space<hbm>>
      tpu.wait_indirect_dma semaphore(%arg9 : memref<!tpu.dma_semaphore, #tpu.memory_space<semaphore_mem>>) src(%arg6 : memref<32x1024xf32, #tpu.memory_space<vmem>>) dst(%dma_wait3A_61 : memref<8200x1024xf32, #tpu.memory_space<hbm>>)
    }
    %scan3A_9 = arith.constant 4 : i32
    return
  }
}

#map = affine_map<(d0, d1) -> (0, 0)>
#map1 = affine_map<(d0, d1) -> (0)>
module attributes {stable_mosaic.version = 14 : i64} {
  func.func @_cgather_body(%arg0: i32, %arg1: i32, %arg2: memref<8192x1024xf32, #tpu.memory_space<hbm>>, %arg3: memref<8192xi32, #tpu.memory_space<hbm>>, %arg4: memref<8192x1024xf32, #tpu.memory_space<hbm>>, %arg5: memref<256xi32, #tpu.memory_space<vmem>>, %arg6: memref<16xi32, #tpu.memory_space<vmem>>, %arg7: memref<16xi32, #tpu.memory_space<vmem>>, %arg8: memref<16x1024xf32, #tpu.memory_space<vmem>>, %arg9: memref<16x1024xf32, #tpu.memory_space<vmem>>, %arg10: memref<!tpu.dma_semaphore, #tpu.memory_space<semaphore_mem>>, %arg11: memref<!tpu.dma_semaphore, #tpu.memory_space<semaphore_mem>>) attributes {dimension_semantics = [#tpu.dimension_semantics<core_parallel>, #tpu.dimension_semantics<subcore_parallel>], iteration_bounds = array<i64: 2, 16>, scalar_prefetch = 0 : i64, scratch_operands = 7 : i64, tpu.core_type = #tpu.core_type<sc_vector_subcore>, window_params = [{transform_indices = #map}, {transform_indices = #map1}, {transform_indices = #map}]} {
    %mul3A = arith.constant 2 : i32
    %mul3A_0 = arith.muli %arg1, %mul3A : i32
    %add3A = arith.addi %mul3A_0, %arg0 : i32
    %mul3A_1 = arith.constant 128 : i32
    %mul3A_2 = arith.muli %add3A, %mul3A_1 : i32
    %mul3A_3 = arith.constant 2 : i32
    %mul3A_4 = arith.muli %mul3A_2, %mul3A_3 : i32
    "tpu.region"() ({
      %run_scoped3A = tpu.sem_alloc : memref<!tpu.dma_semaphore, #tpu.memory_space<semaphore_mem>>
      %dma_start3A = tpu.memref_slice %arg3[%mul3A_4] : memref<8192xi32, #tpu.memory_space<hbm>> -> memref<256xi32, #tpu.memory_space<hbm>>
      %dma_start3A_10 = tpu.memref_slice %arg3[%mul3A_4] : memref<8192xi32, #tpu.memory_space<hbm>> -> memref<256xi32, #tpu.memory_space<hbm>>
      tpu.enqueue_dma source(%dma_start3A_10 : memref<256xi32, #tpu.memory_space<hbm>>) target(%arg5 : memref<256xi32, #tpu.memory_space<vmem>>) target_semaphore(%run_scoped3A : memref<!tpu.dma_semaphore, #tpu.memory_space<semaphore_mem>>)
      %dma_wait3A = tpu.memref_slice %arg3[%mul3A_4] : memref<8192xi32, #tpu.memory_space<hbm>> -> memref<256xi32, #tpu.memory_space<hbm>>
      %dma_wait3A_11 = tpu.memref_slice %arg3[%mul3A_4] : memref<8192xi32, #tpu.memory_space<hbm>> -> memref<256xi32, #tpu.memory_space<hbm>>
      tpu.wait_dma2 semaphore(%run_scoped3A : memref<!tpu.dma_semaphore, #tpu.memory_space<semaphore_mem>>) src(%dma_wait3A_11 : memref<256xi32, #tpu.memory_space<hbm>>) dst(%arg5 : memref<256xi32, #tpu.memory_space<vmem>>)
      tpu.yield
    }) : () -> ()
    %iota3A = tpu.iota {dimensions = array<i32: 0>} : vector<16xi32>
    %scan3A = arith.constant 0 : i32
    %scan3A_5 = arith.constant 0 : i32
    %scan3A_6 = arith.constant 8 : i32
    %scan3A_7 = arith.addi %scan3A_5, %scan3A_6 : i32
    %scan3A_8 = arith.constant 1 : i32
    scf.for %scan3A_10 = %scan3A_5 to %scan3A_7 step %scan3A_8  : i32 {
      %mul3A_11 = arith.constant 16 : i32
      %mul3A_12 = arith.muli %scan3A_10, %mul3A_11 : i32
      %mul3A_13 = arith.constant 2 : i32
      %mul3A_14 = arith.muli %mul3A_12, %mul3A_13 : i32
      %mul3A_15 = arith.constant 2 : i32
      %mul3A_16 = vector.broadcast %mul3A_15 : i32 to vector<16xi32>
      %mul3A_17 = arith.muli %mul3A_16, %iota3A : vector<16xi32>
      %add3A_18 = vector.broadcast %mul3A_14 : i32 to vector<16xi32>
      %add3A_19 = arith.addi %add3A_18, %mul3A_17 : vector<16xi32>
      %gather3A = tpu.vector_load_idx %arg5[%add3A_19] : memref<256xi32, #tpu.memory_space<vmem>>[vector<16xi32>], vector<16xi32>,
      %swap3A = arith.constant 0 : index
      %swap3A_20 = tpu.vector_load %arg6[%swap3A] {strides = array<i32>} : memref<16xi32, #tpu.memory_space<vmem>>, vector<16xi32>,
      tpu.vector_store %arg6[%swap3A], %gather3A {strides = array<i32>} : memref<16xi32, #tpu.memory_space<vmem>>, vector<16xi32>,
      %add3A_21 = arith.constant 1 : i32
      %add3A_22 = vector.broadcast %add3A_21 : i32 to vector<16xi32>
      %add3A_23 = arith.addi %add3A_19, %add3A_22 : vector<16xi32>
      %gather3A_24 = tpu.vector_load_idx %arg5[%add3A_23] : memref<256xi32, #tpu.memory_space<vmem>>[vector<16xi32>], vector<16xi32>,
      %swap3A_25 = arith.constant 0 : index
      %swap3A_26 = tpu.vector_load %arg7[%swap3A_25] {strides = array<i32>} : memref<16xi32, #tpu.memory_space<vmem>>, vector<16xi32>,
      tpu.vector_store %arg7[%swap3A_25], %gather3A_24 {strides = array<i32>} : memref<16xi32, #tpu.memory_space<vmem>>, vector<16xi32>,
      %dma_start3A = arith.constant 0 : i32
      %dma_start3A_27 = arith.constant 0 : i32
      %dma_start3A_28 = tpu.memref_slice %arg2[%dma_start3A, %dma_start3A_27] : memref<8192x1024xf32, #tpu.memory_space<hbm>> -> memref<8192x1024xf32, #tpu.memory_space<hbm>>
      tpu.enqueue_indirect_dma source(%dma_start3A_28 : memref<8192x1024xf32, #tpu.memory_space<hbm>>) target(%arg8 : memref<16x1024xf32, #tpu.memory_space<vmem>>) offsets(%arg6 : memref<16xi32, #tpu.memory_space<vmem>>) semaphore(%arg10 : memref<!tpu.dma_semaphore, #tpu.memory_space<semaphore_mem>>)
      %dma_start3A_29 = arith.constant 0 : i32
      %dma_start3A_30 = arith.constant 0 : i32
      %dma_start3A_31 = tpu.memref_slice %arg2[%dma_start3A_29, %dma_start3A_30] : memref<8192x1024xf32, #tpu.memory_space<hbm>> -> memref<8192x1024xf32, #tpu.memory_space<hbm>>
      tpu.enqueue_indirect_dma source(%dma_start3A_31 : memref<8192x1024xf32, #tpu.memory_space<hbm>>) target(%arg9 : memref<16x1024xf32, #tpu.memory_space<vmem>>) offsets(%arg7 : memref<16xi32, #tpu.memory_space<vmem>>) semaphore(%arg11 : memref<!tpu.dma_semaphore, #tpu.memory_space<semaphore_mem>>)
      %dma_wait3A = arith.constant 0 : i32
      %dma_wait3A_32 = arith.constant 0 : i32
      %dma_wait3A_33 = tpu.memref_slice %arg2[%dma_wait3A, %dma_wait3A_32] : memref<8192x1024xf32, #tpu.memory_space<hbm>> -> memref<8192x1024xf32, #tpu.memory_space<hbm>>
      tpu.wait_indirect_dma semaphore(%arg10 : memref<!tpu.dma_semaphore, #tpu.memory_space<semaphore_mem>>) src(%dma_wait3A_33 : memref<8192x1024xf32, #tpu.memory_space<hbm>>) dst(%arg8 : memref<16x1024xf32, #tpu.memory_space<vmem>>)
      %mul3A_34 = arith.constant 16 : i32
      %mul3A_35 = arith.muli %scan3A_10, %mul3A_34 : i32
      %add3A_36 = arith.addi %mul3A_2, %mul3A_35 : i32
      "tpu.region"() ({
        %run_scoped3A = tpu.sem_alloc : memref<!tpu.dma_semaphore, #tpu.memory_space<semaphore_mem>>
        %dma_start3A_45 = arith.constant 0 : i32
        %dma_start3A_46 = tpu.memref_slice %arg4[%add3A_36, %dma_start3A_45] : memref<8192x1024xf32, #tpu.memory_space<hbm>> -> memref<16x1024xf32, #tpu.memory_space<hbm>>
        %dma_start3A_47 = arith.constant 0 : i32
        %dma_start3A_48 = tpu.memref_slice %arg4[%add3A_36, %dma_start3A_47] : memref<8192x1024xf32, #tpu.memory_space<hbm>> -> memref<16x1024xf32, #tpu.memory_space<hbm>>
        tpu.enqueue_dma source(%arg8 : memref<16x1024xf32, #tpu.memory_space<vmem>>) target(%dma_start3A_48 : memref<16x1024xf32, #tpu.memory_space<hbm>>) target_semaphore(%run_scoped3A : memref<!tpu.dma_semaphore, #tpu.memory_space<semaphore_mem>>)
        %dma_wait3A_49 = arith.constant 0 : i32
        %dma_wait3A_50 = tpu.memref_slice %arg4[%add3A_36, %dma_wait3A_49] : memref<8192x1024xf32, #tpu.memory_space<hbm>> -> memref<16x1024xf32, #tpu.memory_space<hbm>>
        %dma_wait3A_51 = arith.constant 0 : i32
        %dma_wait3A_52 = tpu.memref_slice %arg4[%add3A_36, %dma_wait3A_51] : memref<8192x1024xf32, #tpu.memory_space<hbm>> -> memref<16x1024xf32, #tpu.memory_space<hbm>>
        tpu.wait_dma2 semaphore(%run_scoped3A : memref<!tpu.dma_semaphore, #tpu.memory_space<semaphore_mem>>) src(%arg8 : memref<16x1024xf32, #tpu.memory_space<vmem>>) dst(%dma_wait3A_52 : memref<16x1024xf32, #tpu.memory_space<hbm>>)
        tpu.yield
      }) : () -> ()
      %dma_wait3A_37 = arith.constant 0 : i32
      %dma_wait3A_38 = arith.constant 0 : i32
      %dma_wait3A_39 = tpu.memref_slice %arg2[%dma_wait3A_37, %dma_wait3A_38] : memref<8192x1024xf32, #tpu.memory_space<hbm>> -> memref<8192x1024xf32, #tpu.memory_space<hbm>>
      tpu.wait_indirect_dma semaphore(%arg11 : memref<!tpu.dma_semaphore, #tpu.memory_space<semaphore_mem>>) src(%dma_wait3A_39 : memref<8192x1024xf32, #tpu.memory_space<hbm>>) dst(%arg9 : memref<16x1024xf32, #tpu.memory_space<vmem>>)
      %add3A_40 = arith.constant 4096 : i32
      %add3A_41 = arith.addi %add3A_40, %mul3A_2 : i32
      %mul3A_42 = arith.constant 16 : i32
      %mul3A_43 = arith.muli %scan3A_10, %mul3A_42 : i32
      %add3A_44 = arith.addi %add3A_41, %mul3A_43 : i32
      "tpu.region"() ({
        %run_scoped3A = tpu.sem_alloc : memref<!tpu.dma_semaphore, #tpu.memory_space<semaphore_mem>>
        %dma_start3A_45 = arith.constant 0 : i32
        %dma_start3A_46 = tpu.memref_slice %arg4[%add3A_44, %dma_start3A_45] : memref<8192x1024xf32, #tpu.memory_space<hbm>> -> memref<16x1024xf32, #tpu.memory_space<hbm>>
        %dma_start3A_47 = arith.constant 0 : i32
        %dma_start3A_48 = tpu.memref_slice %arg4[%add3A_44, %dma_start3A_47] : memref<8192x1024xf32, #tpu.memory_space<hbm>> -> memref<16x1024xf32, #tpu.memory_space<hbm>>
        tpu.enqueue_dma source(%arg9 : memref<16x1024xf32, #tpu.memory_space<vmem>>) target(%dma_start3A_48 : memref<16x1024xf32, #tpu.memory_space<hbm>>) target_semaphore(%run_scoped3A : memref<!tpu.dma_semaphore, #tpu.memory_space<semaphore_mem>>)
        %dma_wait3A_49 = arith.constant 0 : i32
        %dma_wait3A_50 = tpu.memref_slice %arg4[%add3A_44, %dma_wait3A_49] : memref<8192x1024xf32, #tpu.memory_space<hbm>> -> memref<16x1024xf32, #tpu.memory_space<hbm>>
        %dma_wait3A_51 = arith.constant 0 : i32
        %dma_wait3A_52 = tpu.memref_slice %arg4[%add3A_44, %dma_wait3A_51] : memref<8192x1024xf32, #tpu.memory_space<hbm>> -> memref<16x1024xf32, #tpu.memory_space<hbm>>
        tpu.wait_dma2 semaphore(%run_scoped3A : memref<!tpu.dma_semaphore, #tpu.memory_space<semaphore_mem>>) src(%arg9 : memref<16x1024xf32, #tpu.memory_space<vmem>>) dst(%dma_wait3A_52 : memref<16x1024xf32, #tpu.memory_space<hbm>>)
        tpu.yield
      }) : () -> ()
    }
    %scan3A_9 = arith.constant 8 : i32
    return
  }
}

module attributes {stable_mosaic.version = 14 : i64} {
  func.func @_ffn_body(%arg0: i32, %arg1: i32, %arg2: memref<1x1024x1024xf32, #tpu.memory_space<vmem>>, %arg3: memref<1x1024x512xbf16, #tpu.memory_space<vmem>>, %arg4: memref<1x1x512xf32, #tpu.memory_space<vmem>>, %arg5: memref<1x512x1024xbf16, #tpu.memory_space<vmem>>, %arg6: memref<1x1x1024xf32, #tpu.memory_space<vmem>>, %arg7: memref<1x1024x1024xf32, #tpu.memory_space<vmem>>) attributes {dimension_semantics = [#tpu.dimension_semantics<arbitrary>, #tpu.dimension_semantics<arbitrary>], iteration_bounds = array<i64: 8, 4>, scalar_prefetch = 0 : i64, scratch_operands = 0 : i64, tpu.core_type = #tpu.core_type<tc>, window_params = [{transform_indices = @transform_0, window_bounds = array<i64: 1, 1024, 1024>}, {transform_indices = @transform_1, window_bounds = array<i64: 1, 1024, 512>}, {transform_indices = @transform_2, window_bounds = array<i64: 1, 1, 512>}, {transform_indices = @transform_3, window_bounds = array<i64: 1, 512, 1024>}, {transform_indices = @transform_4, window_bounds = array<i64: 1, 1, 1024>}, {transform_indices = @transform_5, window_bounds = array<i64: 1, 1024, 1024>}]} {
    %get3A = arith.constant 0 : index
    %get3A_0 = arith.constant 0 : index
    %get3A_1 = arith.constant 0 : index
    %get3A_2 = vector.load %arg2[%get3A, %get3A_0, %get3A_1] : memref<1x1024x1024xf32, #tpu.memory_space<vmem>>, vector<1x1024x1024xf32>
    %get3A_3 = vector.shape_cast %get3A_2 : vector<1x1024x1024xf32> to vector<1024x1024xf32>
    %convert_element_type3A = arith.truncf %get3A_3 : vector<1024x1024xf32> to vector<1024x1024xbf16>
    %get3A_4 = arith.constant 0 : index
    %get3A_5 = arith.constant 0 : index
    %get3A_6 = arith.constant 0 : index
    %get3A_7 = vector.load %arg3[%get3A_4, %get3A_5, %get3A_6] : memref<1x1024x512xbf16, #tpu.memory_space<vmem>>, vector<1x1024x512xbf16>
    %get3A_8 = vector.shape_cast %get3A_7 : vector<1x1024x512xbf16> to vector<1024x512xbf16>
    %dot_general3A = arith.constant dense<0.000000e+00> : vector<1024x512xf32>
    %dot_general3A_9 = tpu.matmul %convert_element_type3A, %get3A_8, %dot_general3A {dimension_numbers = #tpu.dot_dimension_numbers<[1], [0], [0], [1], [0, 0, 1, 1], [], []>, transpose_lhs_hint = false} : vector<1024x1024xbf16>, vector<1024x512xbf16>, vector<1024x512xf32> -> vector<1024x512xf32>
    %get3A_10 = arith.constant 0 : index
    %get3A_11 = arith.constant 0 : index
    %get3A_12 = arith.constant 0 : index
    %get3A_13 = vector.load %arg4[%get3A_10, %get3A_11, %get3A_12] : memref<1x1x512xf32, #tpu.memory_space<vmem>>, vector<1x1x512xf32>
    %get3A_14 = vector.shape_cast %get3A_13 : vector<1x1x512xf32> to vector<512xf32>
    %broadcast_in_dim3A = vector.shape_cast %get3A_14 : vector<512xf32> to vector<1x512xf32>
    %add3A = vector.broadcast %broadcast_in_dim3A : vector<1x512xf32> to vector<1024x512xf32>
    %add3A_15 = arith.addf %dot_general3A_9, %add3A : vector<1024x512xf32>
    %integer_pow3A = arith.mulf %add3A_15, %add3A_15 : vector<1024x512xf32>
    %integer_pow3A_16 = arith.mulf %add3A_15, %integer_pow3A : vector<1024x512xf32>
    %mul3A = arith.constant 4.471500e-02 : f32
    %mul3A_17 = vector.broadcast %mul3A : f32 to vector<1024x512xf32>
    %mul3A_18 = arith.mulf %mul3A_17, %integer_pow3A_16 : vector<1024x512xf32>
    %add3A_19 = arith.addf %add3A_15, %mul3A_18 : vector<1024x512xf32>
    %mul3A_20 = arith.constant 0.797884583 : f32
    %mul3A_21 = vector.broadcast %mul3A_20 : f32 to vector<1024x512xf32>
    %mul3A_22 = arith.mulf %mul3A_21, %add3A_19 : vector<1024x512xf32>
    %tanh3A = math.tanh %mul3A_22 : vector<1024x512xf32>
    %add3A_23 = arith.constant 1.000000e+00 : f32
    %add3A_24 = vector.broadcast %add3A_23 : f32 to vector<1024x512xf32>
    %add3A_25 = arith.addf %add3A_24, %tanh3A : vector<1024x512xf32>
    %mul3A_26 = arith.constant 5.000000e-01 : f32
    %mul3A_27 = vector.broadcast %mul3A_26 : f32 to vector<1024x512xf32>
    %mul3A_28 = arith.mulf %mul3A_27, %add3A_25 : vector<1024x512xf32>
    %mul3A_29 = arith.mulf %add3A_15, %mul3A_28 : vector<1024x512xf32>
    %convert_element_type3A_30 = arith.truncf %mul3A_29 : vector<1024x512xf32> to vector<1024x512xbf16>
    %get3A_31 = arith.constant 0 : index
    %get3A_32 = arith.constant 0 : index
    %get3A_33 = arith.constant 0 : index
    %get3A_34 = vector.load %arg5[%get3A_31, %get3A_32, %get3A_33] : memref<1x512x1024xbf16, #tpu.memory_space<vmem>>, vector<1x512x1024xbf16>
    %get3A_35 = vector.shape_cast %get3A_34 : vector<1x512x1024xbf16> to vector<512x1024xbf16>
    %dot_general3A_36 = arith.constant dense<0.000000e+00> : vector<1024x1024xf32>
    %dot_general3A_37 = tpu.matmul %convert_element_type3A_30, %get3A_35, %dot_general3A_36 {dimension_numbers = #tpu.dot_dimension_numbers<[1], [0], [0], [1], [0, 0, 1, 1], [], []>, transpose_lhs_hint = false} : vector<1024x512xbf16>, vector<512x1024xbf16>, vector<1024x1024xf32> -> vector<1024x1024xf32>
    %eq3A = arith.constant 0 : i32
    %eq3A_38 = arith.cmpi eq, %arg1, %eq3A : i32
    %convert_element_type3A_39 = arith.extui %eq3A_38 : i1 to i32
    %cond3A = arith.constant 0 : i32
    %cond3A_40 = arith.cmpi ne, %convert_element_type3A_39, %cond3A : i32
    scf.if %cond3A_40 {
      %swap3A = arith.constant 0 : index
      %swap3A_50 = arith.constant 0 : index
      %swap3A_51 = arith.constant 0 : index
      %swap3A_52 = vector.load %arg7[%swap3A, %swap3A_50, %swap3A_51] : memref<1x1024x1024xf32, #tpu.memory_space<vmem>>, vector<1x1024x1024xf32>
      %swap3A_53 = vector.shape_cast %swap3A_52 : vector<1x1024x1024xf32> to vector<1024x1024xf32>
      %swap3A_54 = vector.shape_cast %dot_general3A_37 : vector<1024x1024xf32> to vector<1x1024x1024xf32>
      tpu.vector_store %arg7[%swap3A, %swap3A_50, %swap3A_51], %swap3A_54 {strides = array<i32>} : memref<1x1024x1024xf32, #tpu.memory_space<vmem>>, vector<1x1024x1024xf32>,
    } else {
    }
    %gt3A = arith.constant 0 : i32
    %gt3A_41 = arith.cmpi sgt, %arg1, %gt3A : i32
    %convert_element_type3A_42 = arith.extui %gt3A_41 : i1 to i32
    %cond3A_43 = arith.constant 0 : i32
    %cond3A_44 = arith.cmpi ne, %convert_element_type3A_42, %cond3A_43 : i32
    scf.if %cond3A_44 {
      %get3A_50 = arith.constant 0 : index
      %get3A_51 = arith.constant 0 : index
      %get3A_52 = arith.constant 0 : index
      %get3A_53 = vector.load %arg7[%get3A_50, %get3A_51, %get3A_52] : memref<1x1024x1024xf32, #tpu.memory_space<vmem>>, vector<1x1024x1024xf32>
      %get3A_54 = vector.shape_cast %get3A_53 : vector<1x1024x1024xf32> to vector<1024x1024xf32>
      %add3A_55 = arith.addf %get3A_54, %dot_general3A_37 : vector<1024x1024xf32>
      %swap3A = arith.constant 0 : index
      %swap3A_56 = arith.constant 0 : index
      %swap3A_57 = arith.constant 0 : index
      %swap3A_58 = vector.load %arg7[%swap3A, %swap3A_56, %swap3A_57] : memref<1x1024x1024xf32, #tpu.memory_space<vmem>>, vector<1x1024x1024xf32>
      %swap3A_59 = vector.shape_cast %swap3A_58 : vector<1x1024x1024xf32> to vector<1024x1024xf32>
      %swap3A_60 = vector.shape_cast %add3A_55 : vector<1024x1024xf32> to vector<1x1024x1024xf32>
      tpu.vector_store %arg7[%swap3A, %swap3A_56, %swap3A_57], %swap3A_60 {strides = array<i32>} : memref<1x1024x1024xf32, #tpu.memory_space<vmem>>, vector<1x1024x1024xf32>,
    } else {
    }
    %eq3A_45 = arith.constant 3 : i32
    %eq3A_46 = arith.cmpi eq, %arg1, %eq3A_45 : i32
    %convert_element_type3A_47 = arith.extui %eq3A_46 : i1 to i32
    %cond3A_48 = arith.constant 0 : i32
    %cond3A_49 = arith.cmpi ne, %convert_element_type3A_47, %cond3A_48 : i32
    scf.if %cond3A_49 {
      %get3A_50 = arith.constant 0 : index
      %get3A_51 = arith.constant 0 : index
      %get3A_52 = arith.constant 0 : index
      %get3A_53 = vector.load %arg7[%get3A_50, %get3A_51, %get3A_52] : memref<1x1024x1024xf32, #tpu.memory_space<vmem>>, vector<1x1024x1024xf32>
      %get3A_54 = vector.shape_cast %get3A_53 : vector<1x1024x1024xf32> to vector<1024x1024xf32>
      %get3A_55 = arith.constant 0 : index
      %get3A_56 = arith.constant 0 : index
      %get3A_57 = arith.constant 0 : index
      %get3A_58 = vector.load %arg6[%get3A_55, %get3A_56, %get3A_57] : memref<1x1x1024xf32, #tpu.memory_space<vmem>>, vector<1x1x1024xf32>
      %get3A_59 = vector.shape_cast %get3A_58 : vector<1x1x1024xf32> to vector<1024xf32>
      %broadcast_in_dim3A_60 = vector.shape_cast %get3A_59 : vector<1024xf32> to vector<1x1024xf32>
      %add3A_61 = vector.broadcast %broadcast_in_dim3A_60 : vector<1x1024xf32> to vector<1024x1024xf32>
      %add3A_62 = arith.addf %get3A_54, %add3A_61 : vector<1024x1024xf32>
      %swap3A = arith.constant 0 : index
      %swap3A_63 = arith.constant 0 : index
      %swap3A_64 = arith.constant 0 : index
      %swap3A_65 = vector.load %arg7[%swap3A, %swap3A_63, %swap3A_64] : memref<1x1024x1024xf32, #tpu.memory_space<vmem>>, vector<1x1024x1024xf32>
      %swap3A_66 = vector.shape_cast %swap3A_65 : vector<1x1024x1024xf32> to vector<1024x1024xf32>
      %swap3A_67 = vector.shape_cast %add3A_62 : vector<1024x1024xf32> to vector<1x1024x1024xf32>
      tpu.vector_store %arg7[%swap3A, %swap3A_63, %swap3A_64], %swap3A_67 {strides = array<i32>} : memref<1x1024x1024xf32, #tpu.memory_space<vmem>>, vector<1x1024x1024xf32>,
    } else {
    }
    return
  }
  func.func @transform_0(%arg0: i32, %arg1: i32) -> (i32, i32, i32) {
    %c0_i32 = arith.constant 0 : i32
    %c0_i32_0 = arith.constant 0 : i32
    %c0_i32_1 = arith.constant 0 : i32
    return %arg0, %c0_i32, %c0_i32_0 : i32, i32, i32
  }
  func.func @transform_1(%arg0: i32, %arg1: i32) -> (i32, i32, i32) {
    %c0_i32 = arith.constant 0 : i32
    %c0_i32_0 = arith.constant 0 : i32
    return %arg0, %c0_i32, %arg1 : i32, i32, i32
  }
  func.func @transform_2(%arg0: i32, %arg1: i32) -> (i32, i32, i32) {
    %c0_i32 = arith.constant 0 : i32
    %c0_i32_0 = arith.constant 0 : i32
    return %arg0, %c0_i32, %arg1 : i32, i32, i32
  }
  func.func @transform_3(%arg0: i32, %arg1: i32) -> (i32, i32, i32) {
    %c0_i32 = arith.constant 0 : i32
    %c0_i32_0 = arith.constant 0 : i32
    return %arg0, %arg1, %c0_i32 : i32, i32, i32
  }
  func.func @transform_4(%arg0: i32, %arg1: i32) -> (i32, i32, i32) {
    %c0_i32 = arith.constant 0 : i32
    %c0_i32_0 = arith.constant 0 : i32
    %c0_i32_1 = arith.constant 0 : i32
    return %arg0, %c0_i32, %c0_i32_0 : i32, i32, i32
  }
  func.func @transform_5(%arg0: i32, %arg1: i32) -> (i32, i32, i32) {
    %c0_i32 = arith.constant 0 : i32
    %c0_i32_0 = arith.constant 0 : i32
    %c0_i32_1 = arith.constant 0 : i32
    return %arg0, %c0_i32, %c0_i32_0 : i32, i32, i32
  }
}

module attributes {stable_mosaic.version = 14 : i64} {
  func.func @_wsum_body(%arg0: i32, %arg1: memref<1x512x1024xf32, #tpu.memory_space<vmem>>, %arg2: memref<1x512x1024xf32, #tpu.memory_space<vmem>>, %arg3: memref<512x2xf32, #tpu.memory_space<vmem>>, %arg4: memref<512x1024xf32, #tpu.memory_space<vmem>>) attributes {dimension_semantics = [#tpu.dimension_semantics<arbitrary>], iteration_bounds = array<i64: 8>, scalar_prefetch = 0 : i64, scratch_operands = 0 : i64, tpu.core_type = #tpu.core_type<tc>, window_params = [{transform_indices = @transform_0, window_bounds = array<i64: 1, 512, 1024>}, {transform_indices = @transform_1, window_bounds = array<i64: 1, 512, 1024>}, {transform_indices = @transform_2, window_bounds = array<i64: 512, 2>}, {transform_indices = @transform_3, window_bounds = array<i64: 512, 1024>}]} {
    %get3A = arith.constant 0 : index
    %get3A_0 = arith.constant 0 : index
    %get3A_1 = vector.load %arg3[%get3A, %get3A_0] : memref<512x2xf32, #tpu.memory_space<vmem>>, vector<512x2xf32>
    %slice3A = vector.extract_strided_slice %get3A_1 {offsets = [0, 0], sizes = [512, 1], strides = [1, 1]} : vector<512x2xf32> to vector<512x1xf32>
    %slice3A_2 = vector.extract_strided_slice %get3A_1 {offsets = [0, 1], sizes = [512, 1], strides = [1, 1]} : vector<512x2xf32> to vector<512x1xf32>
    %get3A_3 = arith.constant 0 : index
    %get3A_4 = arith.constant 0 : index
    %get3A_5 = arith.constant 0 : index
    %get3A_6 = vector.load %arg1[%get3A_3, %get3A_4, %get3A_5] : memref<1x512x1024xf32, #tpu.memory_space<vmem>>, vector<1x512x1024xf32>
    %get3A_7 = vector.shape_cast %get3A_6 : vector<1x512x1024xf32> to vector<512x1024xf32>
    %get3A_8 = arith.constant 0 : index
    %get3A_9 = arith.constant 0 : index
    %get3A_10 = arith.constant 0 : index
    %get3A_11 = vector.load %arg2[%get3A_8, %get3A_9, %get3A_10] : memref<1x512x1024xf32, #tpu.memory_space<vmem>>, vector<1x512x1024xf32>
    %get3A_12 = vector.shape_cast %get3A_11 : vector<1x512x1024xf32> to vector<512x1024xf32>
    %gt3A = arith.constant 0.000000e+00 : f32
    %gt3A_13 = vector.broadcast %gt3A : f32 to vector<512x1xf32>
    %gt3A_14 = arith.cmpf ogt, %slice3A, %gt3A_13 : vector<512x1xf32>
    %mul3A = vector.broadcast %slice3A : vector<512x1xf32> to vector<512x1024xf32>
    %mul3A_15 = arith.mulf %mul3A, %get3A_7 : vector<512x1024xf32>
    %jit3A = arith.constant 0.000000e+00 : f32
    %broadcast_in_dim3A = vector.shape_cast %gt3A_14 : vector<512x1xi1> to vector<512x1xi1>
    %broadcast_in_dim3A_16 = vector.broadcast %broadcast_in_dim3A : vector<512x1xi1> to vector<512x1024xi1>
    %broadcast_in_dim3A_17 = vector.broadcast %jit3A : f32 to vector<512x1024xf32>
    %select_n3A = arith.select %broadcast_in_dim3A_16, %mul3A_15, %broadcast_in_dim3A_17 : vector<512x1024xi1>, vector<512x1024xf32>
    %gt3A_18 = arith.constant 0.000000e+00 : f32
    %gt3A_19 = vector.broadcast %gt3A_18 : f32 to vector<512x1xf32>
    %gt3A_20 = arith.cmpf ogt, %slice3A_2, %gt3A_19 : vector<512x1xf32>
    %mul3A_21 = vector.broadcast %slice3A_2 : vector<512x1xf32> to vector<512x1024xf32>
    %mul3A_22 = arith.mulf %mul3A_21, %get3A_12 : vector<512x1024xf32>
    %jit3A_23 = arith.constant 0.000000e+00 : f32
    %broadcast_in_dim3A_24 = vector.shape_cast %gt3A_20 : vector<512x1xi1> to vector<512x1xi1>
    %broadcast_in_dim3A_25 = vector.broadcast %broadcast_in_dim3A_24 : vector<512x1xi1> to vector<512x1024xi1>
    %broadcast_in_dim3A_26 = vector.broadcast %jit3A_23 : f32 to vector<512x1024xf32>
    %select_n3A_27 = arith.select %broadcast_in_dim3A_25, %mul3A_22, %broadcast_in_dim3A_26 : vector<512x1024xi1>, vector<512x1024xf32>
    %add3A = arith.addf %select_n3A, %select_n3A_27 : vector<512x1024xf32>
    %swap3A = arith.constant 0 : index
    %swap3A_28 = arith.constant 0 : index
    %swap3A_29 = vector.load %arg4[%swap3A, %swap3A_28] : memref<512x1024xf32, #tpu.memory_space<vmem>>, vector<512x1024xf32>
    tpu.vector_store %arg4[%swap3A, %swap3A_28], %add3A {strides = array<i32>} : memref<512x1024xf32, #tpu.memory_space<vmem>>, vector<512x1024xf32>,
    return
  }
  func.func @transform_0(%arg0: i32) -> (i32, i32, i32) {
    %c0_i32 = arith.constant 0 : i32
    %c0_i32_0 = arith.constant 0 : i32
    %c0_i32_1 = arith.constant 0 : i32
    return %c0_i32, %arg0, %c0_i32_0 : i32, i32, i32
  }
  func.func @transform_1(%arg0: i32) -> (i32, i32, i32) {
    %c1_i32 = arith.constant 1 : i32
    %c0_i32 = arith.constant 0 : i32
    %c0_i32_0 = arith.constant 0 : i32
    return %c1_i32, %arg0, %c0_i32 : i32, i32, i32
  }
  func.func @transform_2(%arg0: i32) -> (i32, i32) {
    %c0_i32 = arith.constant 0 : i32
    %c0_i32_0 = arith.constant 0 : i32
    return %arg0, %c0_i32 : i32, i32
  }
  func.func @transform_3(%arg0: i32) -> (i32, i32) {
    %c0_i32 = arith.constant 0 : i32
    %c0_i32_0 = arith.constant 0 : i32
    return %arg0, %c0_i32 : i32, i32
  }
}

</mosaic_0001>

<sc_bundles>
// kernel: kernel.11.cloned.1.call-start
scs
__scs_entry_jumppad:
0x0: {  	(pc) =	sbr.rel $0x88, $3  }
0x1: {  	(tag) =	ssettag $0x0;
	lr =	simm.s32 $0x1  }
0x2: {  	[smem:$0x3F99] =	sst lr;
	_ =	strace $0xD0000000  }
0x3: {  	_ = 	snop  }
0x4: {  	_ = 	snop  }
0x5: {  	_ = 	snop  }
0x6: {  	_ = 	snop  }
0x7: {  	_ = 	snop  }
__scs_overlays_trampoline_lowered:
0x8: {  	[smem:$0x3FA8] =	sst s0  }
0x9: {  	[smem:$0x3FA9] =	sst s1  }
0xa: {  	[smem:$0x3FAA] =	sst s2  }
0xb: {  	[smem:$0x3FAB] =	sst s3  }
0xc: {  	[smem:$0x3FAC] =	sst s4  }
0xd: {  	[smem:$0x3FAD] =	sst s5  }
0xe: {  	[smem:$0x3FAE] =	sst s6  }
0xf: {  	[smem:$0x3FAF] =	sst s7  }
0x10: {  	[smem:$0x3FB0] =	sst s8  }
0x11: {  	[smem:$0x3FB1] =	sst s9;
	s0 =	simm.s32 @!p0 $0x0  }
0x12: {  	s1 =	sld [smem:$0x3F97];
	s0 =	simm.s32 @p0 $0x1  }
0x13: {  	[smem:$0x3FB2] =	sst s0;
	s0 =	simm.s32 @!p1 $0x0  }
0x14: {  	s2 =	sld [smem:$0x3F96];
	s0 =	simm.s32 @p1 $0x1  }
0x15: {  	[smem:$0x3FB3] =	sst s0;
	s0 =	simm.s32 @!p2 $0x0  }
0x16: {  	s3 =	sld [smem:$0x3FDB];
	s0 =	simm.s32 @p2 $0x1  }
0x17: {  	s4 =	simm.s32 $0x1BF5;
	[smem:$0x3FB5] =	sst s0  }
0x18: {  	s0 =	sld [smem:$0x3F98];
	_ =	swait.ge [sflag:s4], $0x0  }
0x19: {  	s7 =	sld [smem:$0x3F99]  }
0x1a: {  	s8 =	sadd.s32 $0xFFFFE003, lr  }
0x1b: {  	s9 =	sadd.s32 $0xFFFFFEF7, lr;
	s5 =	simm.s32 $0xFFFFFFFF;
	p2 =	slt.u32 s8, $0xFFFFF086  }
0x1c: {  	p1 =	slt.u32 s9, $0xF7A;
	s5 =	simm.s32 @!p2 $0x0  }
0x1d: {  	s5 =	simm.s32 @p1 $0x1;
	p0 =	seq.s32 s7, s2  }
0x1e: {  	s7 =	smul.u32 @!p0 $0xF7A, s2;
	p2 =	seq.s32 @!p0 s5, $0x0  }
0x1f: {  	s9 =	smul.u32 $0xF7A, s1;
	s8 =	simm.s32 @!p0 $0x1BF5;
	p2 =	por !p2, p0  }
0x20: {  	[sflag:s8] =	ssyncset.s32 @!p0 $0xFFFFF086;
	s6 =	sadd.s32 @!p0 s3, s7;
	s7 =	simm.s32 @!p0 $0x108  }
0x21: {  	s3 =	sadd.s32 s3, s9;
	s6 =	sadd.s32 @!p0 $0x88, s6;
	s7 =	simm.s32 @p2 $0x1082  }
0x22: {  	[simem:s7], [sflag:s8] =	dma.local @!p0 [hbm:s6], $0xF7A  }
0x23: {  	s9 =	sor.u32 $0xD0000000, s2;
	s6 =	simm.s32 $0x108;
	_ =	swait.ge @!p0 [sflag:s8], $0x0  }
0x24: {  	s3 =	sadd.s32 $0x88, s3;
	s6 =	simm.s32 @!p1 $0x1082;
	[sflag:s4] =	ssyncset.s32 $0xFFFFF086  }
0x25: {  	[simem:s6], [sflag:s4] =	dma.local [hbm:s3], $0xF7A  }
0x26: {  	[smem:$0x3F99] =	sst s1;
	(tag) =	ssettag s2;
	_ =	strace s9  }
0x27: {  	s1 =	sld [smem:$0x3FA9]  }
0x28: {  	s2 =	sld [smem:$0x3FAA]  }
0x29: {  	s4 =	sld [smem:$0x3FAC]  }
0x2a: {  	p0 =	seq.s32 s5, $0x0;
	s5 =	sld [smem:$0x3FAD]  }
0x2b: {  	s6 =	sld [smem:$0x3FAE]  }
0x2c: {  	s7 =	sld [smem:$0x3FAF]  }
0x2d: {  	s3 =	simm.s32 $0x108;
	s8 =	sld [smem:$0x3FB0]  }
0x2e: {  	s3 =	simm.s32 @!p0 $0x1082;
	s9 =	sld [smem:$0x3FB1]  }
0x2f: {  	lr =	sadd.s32 s0, s3;
	s0 =	sld [smem:$0x3FA8]  }
0x30: {  	s3 =	sld [smem:$0x3FAB]  }
0x31: {  	[smem:$0x3FB4] =	sst s10  }
0x32: {  	s10 =	sld [smem:$0x3FB2];
	_ =	sdelay $0x3  }
0x33: {  	p0 =	seq.s32 s10, $0x1;
	s10 =	sld [smem:$0x3FB4];
	_ =	sdelay $0x3  }
0x34: {  	[smem:$0x3FB4] =	sst s10  }
0x35: {  	s10 =	sld [smem:$0x3FB3];
	_ =	sdelay $0x3  }
0x36: {  	p1 =	seq.s32 s10, $0x1;
	s10 =	sld [smem:$0x3FB4];
	_ =	sdelay $0x3  }
0x37: {  	[smem:$0x3FB4] =	sst s10  }
0x38: {  	s10 =	sld [smem:$0x3FB5]  }
0x39: {  	_ = 	snop;
	(pc) =	sbr.ind lr, $3  }
0x3a: {  	_ = 	snop  }
0x3b: {  	_ = 	snop  }
0x3c: {  	p2 =	seq.s32 s10, $0x1;
	s10 =	sld [smem:$0x3FB4]  }
0x3d: {  	_ =	shalt  }
0x3e: {  	_ =	shalt  }
0x3f: {  	_ =	shalt  }
0x40: {  	_ =	shalt  }
0x41: {  	_ =	shalt  }
0x42: {  	_ =	shalt  }
0x43: {  	_ =	shalt  }
0x44: {  	_ =	shalt  }
0x45: {  	_ =	shalt  }
0x46: {  	_ =	shalt  }
0x47: {  	_ =	shalt  }
0x48: {  	_ =	shalt  }
0x49: {  	_ =	shalt  }
0x4a: {  	_ =	shalt  }
0x4b: {  	_ =	shalt  }
0x4c: {  	_ =	shalt  }
0x4d: {  	_ =	shalt  }
0x4e: {  	_ =	shalt  }
0x4f: {  	_ =	shalt  }
0x50: {  	_ =	shalt  }
0x51: {  	_ =	shalt  }
0x52: {  	_ =	shalt  }
0x53: {  	_ =	shalt  }
0x54: {  	_ =	shalt  }
0x55: {  	_ =	shalt  }
0x56: {  	_ =	shalt  }
0x57: {  	_ =	shalt  }
0x58: {  	_ =	shalt  }
0x59: {  	_ =	shalt  }
0x5a: {  	_ =	shalt  }
0x5b: {  	_ =	shalt  }
0x5c: {  	_ =	shalt  }
0x5d: {  	_ =	shalt  }
0x5e: {  	_ =	shalt  }
0x5f: {  	_ =	shalt  }
0x60: {  	_ =	shalt  }
0x61: {  	_ =	shalt  }
0x62: {  	_ =	shalt  }
0x63: {  	_ =	shalt  }
0x64: {  	_ =	shalt  }
0x65: {  	_ =	shalt  }
0x66: {  	_ =	shalt  }
0x67: {  	_ =	shalt  }
0x68: {  	_ =	shalt  }
0x69: {  	_ =	shalt  }
0x6a: {  	_ =	shalt  }
0x6b: {  	_ =	shalt  }
0x6c: {  	_ =	shalt  }
0x6d: {  	_ =	shalt  }
0x6e: {  	_ =	shalt  }
0x6f: {  	_ =	shalt  }
0x70: {  	_ =	shalt  }
0x71: {  	_ =	shalt  }
0x72: {  	_ =	shalt  }
0x73: {  	_ =	shalt  }
0x74: {  	_ =	shalt  }
0x75: {  	_ =	shalt  }
0x76: {  	_ =	shalt  }
0x77: {  	_ =	shalt  }
0x78: {  	_ =	shalt  }
0x79: {  	_ =	shalt  }
0x7a: {  	_ =	shalt  }
0x7b: {  	_ =	shalt  }
0x7c: {  	_ =	shalt  }
0x7d: {  	_ =	shalt  }
0x7e: {  	_ =	shalt  }
0x7f: {  	_ =	shalt  }
0x80: {  	_ =	shalt  }
0x81: {  	_ =	shalt  }
0x82: {  	_ =	shalt  }
0x83: {  	_ =	shalt  }
0x84: {  	_ =	shalt  }
0x85: {  	_ =	shalt  }
0x86: {  	_ =	shalt  }
0x87: {  	_ =	shalt  }
.Lfunc_end0:
.L_simem_size_0:
called_computation.1_lowered:
.L_overlay_start_0:
0x88: {  	s2 =	sld [smem:$0x3FD9]  }
0x89: {  	s3 =	sld [smem:$0x3FFE];
	_ =	sdelay $0x1  }
0x8a: {  	s1 =	srdreg.scid  }
0x8b: {  	s0 =	sand.u32 $0x1, s1  }
0x8c: {  	s14 =	sshll.u32 s0, $0xA;
	s2 =	sadd.s32 s3, s2  }
0x8d: {  	s2 =	sadd.s32 s2, s14  }
0x8e: {  	[smem:$0x3FC0] =	sst s2  }
0x8f: {  	_ = 	snop  }
0x90: {  	s2 =	sld [smem:$0x3FD0];
	_ =	sdelay $0x1  }
0x91: {  	s15 =	sld [smem:$0x3FC8]  }
0x92: {  	s5 =	simm.s32 $0xA;
	s6 =	simm.s32 $0x10;
	s4 =	sld [smem:$0x3FC7]  }
0x93: {  	[smem:s6], [sflag:s5] =	dma.local [hbm:s2], $0x1  }
0x94: {  	_ =	swait.eq [sflag:s5], $0x1  }
0x95: {  	[sflag:s5] =	ssyncset.done $0x0  }
0x96: {  	s16 =	sld [smem:$0x10];
	[sflag:s5] =	ssyncadd.s32 $0xFFFFFFFF  }
0x97: {  	s17 =	sld [smem:$0x11];
	(tm) =	ssettm $0x1  }
0x98: {  	s18 =	sld [smem:$0x3FFB];
	_ =	sdelay $0x3  }
0x99: {  	_ =	strace s18  }
0x9a: {  	s6 =	sld [smem:$0x3FFC];
	_ =	sdelay $0x3  }
0x9b: {  	_ =	strace s6  }
0x9c: {  	s6 =	sld [smem:$0x3FFD];
	_ =	sdelay $0x3  }
0x9d: {  	_ =	strace s6  }
0x9e: {  	_ =	strace $0x8FFFFFFF  }
0x9f: {  	s19 =	sld [smem:$0x3FDB];
	_ =	sdelay $0x1  }
0xa0: {  	s7 =	simm.s32 $_scs_section_size  }
0xa1: {  	s8 =	simm.s32 $_size__tile_overlayer_lowered;
	s9 =	simm.s32 $_tile_overlayer_lowered  }
0xa2: {  	s22 =	simm.s32 $0x1BFF;
	s21 =	sshll.u32 s9, $0x1;
	s6 =	sadd.s32 s7, s19  }
0xa3: {  	s10 =	simm.s32 $0x0;
	s20 =	sshll.u32 s8, $0x1;
	s8 =	sadd.s32 s21, s6  }
0xa4: {  	[timem:s10], [sflag:s22] =	dma.local [hbm:s8], s20  }
0xa5: {  	_ =	swait.ge [sflag:s22], s20  }
0xa6: {  	s7 =	ssub.s32 $0x0, s20;
	[sflag:s22] =	ssyncset.done $0x0  }
0xa7: {  	[sflag:s22] =	ssyncadd.s32 s7;
	_ =	sdelay $0x1  }
0xa8: {  	s23 =	simm.s32 $0x1B8B  }
0xa9: {  	_ =	swait.ge [sflag:s23], $0x1  }
0xaa: {  	[sflag:s23] =	ssyncset.done $0x0  }
0xab: {  	s25 =	simm.s32 $0x1B8E;
	s24 =	sld [smem:$0x3FFE];
	[sflag:s23] =	ssyncadd.s32 $0xFFFFFFFF  }
0xac: {  	s26 =	simm.s32 $execute0_lowered;
	[smem:$0x3FD2] =	sst s25  }
0xad: {  	s8 =	sshll.u32 s26, $0x1;
	_ =	strace $0x80000049;
	[dreg:$0x1] =	wrdreg $0xFFFFFFFF  }
0xae: {  	s28 =	simm.s32 $_size_execute0_lowered;
	s6 =	sadd.s32 s6, s8;
	[dreg:$0x0] =	wrdreg $0x0  }
0xaf: {  	s8 =	sshll.u32 s28, $0x1;
	[dreg:$0x2] =	wrdreg s6  }
0xb0: {  	[dreg:$0x3] =	wrdreg s8  }
0xb1: {  	[dreg:$0x4] =	wrdreg $0xC0  }
0xb2: {  	_ =	task [dreg:s10], $0x5FFFF  }
0xb3: {  	[dreg:$0x1] =	wrdreg $0xFFFFFFFF  }
0xb4: {  	[dreg:$0x0] =	wrdreg $0x60  }
0xb5: {  	[dreg:$0x2] =	wrdreg s15  }
0xb6: {  	[dreg:$0x3] =	wrdreg s4  }
0xb7: {  	[dreg:$0x4] =	wrdreg s24  }
0xb8: {  	[dreg:$0x5] =	wrdreg s16  }
0xb9: {  	[dreg:$0x6] =	wrdreg s17  }
0xba: {  	[dreg:$0x7] =	wrdreg $0x9  }
0xbb: {  	_ =	task.clear_ibuf [dreg:s10], $0x8FFFF;
	_ =	strace $0x90000049  }
0xbc: {  	s29 =	simm.s32 $0x9;
	_ =	strace $0x8000004B  }
0xbd: {  	_ =	swait.ge [sflag:s29], $0x1  }
0xbe: {  	[sflag:s29] =	ssyncadd.s32 $0xFFFFFFFF  }
0xbf: {  	_ =	strace $0x9000004B  }
0xc0: {  	_ =	sfence  }
0xc1: {  	s30 =	sld [smem:$0x0];
	_ =	sdelay $0x2  }
0xc2: {  	s31 =	sshll.u32 s1, $0xD;
	s1 =	sshrl.u32 s1, $0x2  }
0xc3: {  	s3 =	sand.u32 $0x4000, s31;
	s1 =	sadd.s32 s1, s30  }
0xc4: {  	s0 =	sor.u32 s3, s0;
	s1 =	sshll.u32 s1, $0x11  }
0xc5: {  	s0 =	sor.u32 s1, s0  }
0xc6: {  	s0 =	sadd.s32 $0x8F2B, s0  }
0xc7: {  	[sflag:s0] =	ssyncadd.remote.s32 $0x1  }
0xc8: {  	_ =	sfence.sel $0xFFFF  }
0xc9: {  	[dreg:$0x0] =	wrdreg $0xFFFFFFFF;
	(pc) =	sbr.abs _section_cstart, $3  }
0xca: {  	[dreg:$0x1] =	wrdreg $0xFFFFFFFF  }
0xcb: {  	_ =	task.clear_ibuf [dreg:s10], $0x2FFFF;
	_ =	strace $0x9FFFFFFF  }
0xcc: {  	(tm) =	ssettm $0x7FFFFFFF  }
0xcd: {  	_ =	shalt  }
tec
execute0_lowered:
.L_overlay_start_1:
0x0: {  	(tag) =	ssettag $0x1  }
0x1: {  	s6 =	rddreg [dreg:$0x0]  }
0x2: {  	s7 =	rddreg [dreg:$0x1]  }
0x3: {  	s8 =	rddreg [dreg:$0x2]  }
0x4: {  	s9 =	rddreg [dreg:$0x3]  }
0x5: {  	s1 =	rddreg [dreg:$0x4]  }
0x6: {  	s0 =	rddreg [dreg:$0x5];
	s2 =	simm.s32 $0x0;
	s4 =	srdreg.scid  }
0x7: {  	s3 =	stileid.u32;
	s19 =	sand.u32 $0x1, s4;
	s4 =	sadd.s32 $0x2400, s8  }
0x8: {  	s10 =	sshll.u32 s3, $0x6;
	s5 =	sadd.s32 $0x2200, s8;
	p1 =	seq.s32 s3, $0xF  }
0x9: {  	s11 =	ssub.s32 $0x2, s19;
	s12 =	sadd.s32 s10, s8;
	s6 =	sadd.s32 s6, s10  }
0xa: {  	s7 =	sadd.s32 s7, s10;
	s9 =	sadd.s32 s9, s10;
	s31 =	sshrl.u32 s11, $0x1  }
0xb: {  	s8 =	sadd.s32 $0x1E00, s12;
	s10 =	sadd.s32 $0x2A00, s12;
	s13 =	ssub.s32 s11, s31  }
0xc: {  	s11 =	sadd.s32 $0x2600, s12;
	s12 =	smax.u32 s13, $0x1;
	s13 =	simm.s32 @!p1 $0x0  }
0xd: {  	[smem:$0x7FF] =	sst s2;
	s13 =	simm.s32 @p1 $0x1;
	p1 =	sgt.u32 s3, $0xD  }
0xe: {  	_ =	strace $0x8000004A;
	[smem:$0x7F3] =	sst s13;
	s13 =	simm.s32 @!p1 $0x0  }
0xf: {  	s13 =	simm.s32 @p1 $0x1;
	p1 =	sgt.u32 s3, $0xC  }
0x10: {  	[smem:$0x7F4] =	sst s13;
	s13 =	simm.s32 @!p1 $0x0  }
0x11: {  	s13 =	simm.s32 @p1 $0x1;
	p1 =	sgt.u32 s3, $0xB  }
0x12: {  	[smem:$0x7F5] =	sst s13;
	s13 =	simm.s32 @!p1 $0x0  }
0x13: {  	s13 =	simm.s32 @p1 $0x1;
	p1 =	sgt.u32 s3, $0xA  }
0x14: {  	[smem:$0x7F6] =	sst s13;
	s13 =	simm.s32 @!p1 $0x0  }
0x15: {  	s13 =	simm.s32 @p1 $0x1;
	p1 =	sgt.u32 s3, $0x9  }
0x16: {  	s15 =	simm.s32 $0x1480;
	s20 =	simm.s32 @!p1 $0x0  }
0x17: {  	s16 =	simm.s32 $0x400;
	s20 =	simm.s32 @p1 $0x1;
	p1 =	sgt.u32 s3, $0x8  }
0x18: {  	s17 =	simm.s32 $0x600;
	[smem:$0x7F8] =	sst s20;
	s20 =	simm.s32 @!p1 $0x0  }
0x19: {  	s18 =	simm.s32 $0xE00;
	s20 =	simm.s32 @p1 $0x1;
	p1 =	sgt.u32 s3, $0x7  }
0x1a: {  	p2 =	sgt.u32 s3, $0x3;
	[smem:$0x7F9] =	sst s20;
	s20 =	simm.s32 @!p1 $0x0  }
0x1b: {  	p3 =	sgt.u32 s3, $0x2;
	s20 =	simm.s32 @p1 $0x1;
	p1 =	sgt.u32 s3, $0x6  }
0x1c: {  	p4 =	sgt.u32 s3, $0x1;
	[smem:$0x7FA] =	sst s20;
	s20 =	simm.s32 @!p1 $0x0  }
0x1d: {  	p5 =	seq.s32 s3, $0x0;
	s20 =	simm.s32 @p1 $0x1;
	p1 =	sgt.u32 s3, $0x5  }
0x1e: {  	s14 =	sor.u32 s3, s19;
	[smem:$0x7FB] =	sst s20;
	s20 =	simm.s32 @!p1 $0x0  }
0x1f: {  	p6 =	sne.s32 s19, $0x0;
	s20 =	simm.s32 @p1 $0x1;
	p1 =	sgt.u32 s3, $0x4  }
0x20: {  	s19 =	simm.s32 $0x0;
	[smem:$0x7FC] =	sst s20;
	s20 =	simm.s32 @!p1 $0x0  }
0x21: {  	p0 =	sne.s32 s14, $0x0;
	[smem:$0x7F7] =	sst s13;
	s20 =	simm.s32 @p1 $0x1  }
0x22: {  	s14 =	simm.s32 $0x200;
	s13 =	simm.s32 $0x1;
	[smem:$0x7FD] =	sst s20  }
.LBB2_1:
0x23: {  	[tilespmem:s2], [sflag:$0x1] =	stream.linear.gather [hbm4b:s6+s2], $0x200, $0x38;
	[tilespmem:$0x1580] =	vst v63  }
0x24: {  	_ =	swait.ge [sflag:s13], $0x200  }
0x25: {  	[sflag:s13] =	ssyncset.done $0x0  }
0x26: {  	[sflag:s13] =	ssyncadd.s32 $0xFFFFFE00  }
0x27: {  	[tilespmem:s14], [sflag:$0x1] =	stream.linear.gather [hbm4b:s7+s2], $0x200, $0x38;
	[tilespmem:$0x1580] =	vst v63  }
0x28: {  	_ =	swait.ge [sflag:s13], $0x200  }
0x29: {  	[sflag:s13] =	ssyncset.done $0x0  }
0x2a: {  	[sflag:s13] =	ssyncadd.s32 $0xFFFFFE00  }
0x2b: {  	[tilespmem:s15], [sflag:$0x1] =	stream.linear.gather [hbm4b:s4+s2], $0x80, $0x38;
	[tilespmem:$0x1580] =	vst v63  }
0x2c: {  	_ =	swait.ge [sflag:s13], $0x80  }
0x2d: {  	[sflag:s13] =	ssyncset.done $0x0  }
0x2e: {  	[sflag:s13] =	ssyncadd.s32 $0xFFFFFF80  }
0x2f: {  	[tilespmem:s16], [sflag:$0x1] =	stream.linear.gather [hbm4b:s8+s2], $0x200, $0x38;
	[tilespmem:$0x1580] =	vst v63  }
0x30: {  	_ =	swait.ge [sflag:s13], $0x200  }
0x31: {  	[sflag:s13] =	ssyncset.done $0x0  }
0x32: {  	[sflag:s13] =	ssyncadd.s32 $0xFFFFFE00  }
0x33: {  	[tilespmem:s17], [sflag:$0x1] =	stream.linear.gather [hbm4b:s5+s2], $0x800, $0x38;
	[tilespmem:$0x1580] =	vst v63  }
0x34: {  	_ =	swait.ge [sflag:s13], $0x800  }
0x35: {  	[sflag:s13] =	ssyncset.done $0x0  }
0x36: {  	[sflag:s13] =	ssyncadd.s32 $0xFFFFF800  }
0x37: {  	v0 =	vld [tilespmem:$0x600]  }
0x38: {  	v1 =	vld [tilespmem:$0x680]  }
0x39: {  	v2 =	vld [tilespmem:$0x700]  }
0x3a: {  	v3 =	vld [tilespmem:$0x780]  }
0x3b: {  	v4 =	vld [tilespmem:$0x800]  }
0x3c: {  	s20 =	sld [smem:$0x7FD];
	v5 =	vld [tilespmem:$0x880]  }
0x3d: {  	s21 =	sld [smem:$0x7FC];
	v8 =	vld [tilespmem:$0x900];
	v6 =	vpsel p5, $0x0, v0;
	v7 =	vpsel !p4, $0x0, v1  }
0x3e: {  	s22 =	sld [smem:$0x7FB];
	v9 =	vld [tilespmem:$0x980];
	v0 =	vadd.s32 @!p0 v0, v1;
	v6 =	vadd.s32 v6, v7;
	v7 =	vpsel !p3, $0x0, v2  }
0x3f: {  	s23 =	sld [smem:$0x7FA];
	p1 =	seq.s32 s20, $0x1;
	v0 =	vadd.s32 @!p0 v2, v0;
	v1 =	vadd.s32 v7, v6;
	v6 =	vpsel !p2, $0x0, v3;
	v7 =	vld [tilespmem:$0xA00]  }
0x40: {  	s24 =	sld [smem:$0x7F9];
	v2 =	vpsel !p1, $0x0, v4;
	p1 =	seq.s32 s21, $0x1;
	v0 =	vadd.s32 @!p0 v3, v0;
	v1 =	vadd.s32 v6, v1;
	v6 =	vld [tilespmem:$0xA80]  }
0x41: {  	s25 =	sld [smem:$0x7F8];
	v3 =	vld [tilespmem:$0xB00];
	v0 =	vadd.s32 @!p0 v4, v0;
	v1 =	vadd.s32 v2, v1;
	v2 =	vpsel !p1, $0x0, v5;
	p1 =	seq.s32 s22, $0x1  }
0x42: {  	s26 =	sld [smem:$0x7F7];
	v4 =	vld [tilespmem:$0xB80];
	v0 =	vadd.s32 @!p0 v5, v0;
	v1 =	vadd.s32 v2, v1;
	v2 =	vpsel !p1, $0x0, v8;
	p1 =	seq.s32 s23, $0x1  }
0x43: {  	s28 =	sld [smem:$0x7F6];
	v5 =	vld [tilespmem:$0xC00];
	v0 =	vadd.s32 @!p0 v8, v0;
	v1 =	vadd.s32 v2, v1;
	v2 =	vpsel !p1, $0x0, v9;
	p1 =	seq.s32 s24, $0x1  }
0x44: {  	s29 =	sld [smem:$0x7F5];
	v8 =	vld [tilespmem:$0xC80];
	v0 =	vadd.s32 @!p0 v9, v0;
	v1 =	vadd.s32 v2, v1;
	v2 =	vpsel !p1, $0x0, v7;
	p1 =	seq.s32 s25, $0x1  }
0x45: {  	s30 =	sld [smem:$0x7F4];
	v9 =	vld [tilespmem:$0xD00];
	v0 =	vadd.s32 @!p0 v7, v0;
	v1 =	vadd.s32 v2, v1;
	v2 =	vpsel !p1, $0x0, v6;
	p1 =	seq.s32 s26, $0x1  }
0x46: {  	s31 =	sld [smem:$0x7F3];
	v0 =	vadd.s32 @!p0 v6, v0;
	v1 =	vadd.s32 v2, v1;
	v2 =	vpsel !p1, $0x0, v3;
	p1 =	seq.s32 s28, $0x1  }
0x47: {  	v6 =	vld [tilespmem:$0xD80];
	v0 =	vadd.s32 @!p0 v3, v0;
	v1 =	vadd.s32 v2, v1;
	v2 =	vpsel !p1, $0x0, v4;
	p1 =	seq.s32 s29, $0x1  }
0x48: {  	v0 =	vadd.s32 @!p0 v4, v0;
	v1 =	vadd.s32 v2, v1;
	v2 =	vpsel !p1, $0x0, v5;
	p1 =	seq.s32 s30, $0x1  }
0x49: {  	v0 =	vadd.s32 @!p0 v5, v0;
	v1 =	vadd.s32 v2, v1;
	v2 =	vpsel !p1, $0x0, v8;
	p1 =	seq.s32 s31, $0x1  }
0x4a: {  	v0 =	vadd.s32 @!p0 v8, v0;
	v1 =	vadd.s32 v2, v1;
	v2 =	vpsel !p1, $0x0, v9  }
0x4b: {  	v0 =	vadd.s32 @!p0 v9, v0;
	v1 =	vadd.s32 v2, v1  }
0x4c: {  	v0 =	vadd.s32 @!p0 v6, v0;
	[tilespmem:$0xE00] =	vst v1  }
0x4d: {  	s20 =	simm.s32 @!p0 $0x0;
	s21 =	simm.s32 @!p0 $0x1500;
	[tilespmem:$0x1500] =	vst @!p0 v0  }
0x4e: {  	[hbm4b:s1+s20] =	stream.linear.scatter @!p0 [tilespmem:s21], [sflag:$0x1], $0x80, $0x38;
	[tilespmem:$0x1580] =	vst v63  }
0x4f: {  	s20 =	simm.s32 @!p0 $0x1  }
0x50: {  	_ =	swait.ge @!p0 [sflag:s20], $0x80  }
0x51: {  	[sflag:s20] =	ssyncset.done @!p0 $0x0  }
0x52: {  	s21 =	simm.s32 $0x0;
	[sflag:s20] =	ssyncadd.s32 @!p0 $0xFFFFFF80  }
0x53: {  	v1 =	vld [tilespmem:s21+$0x0];
	_ =	sdelay $0x6  }
0x54: {  	v4 =	vld [tilespmem:s21+$0x400]  }
0x55: {  	v3 =	vld.idx.msk [tilespmem:v1+s18+$0x0], $0xffff  }
0x56: {  	v0 =	vld [tilespmem:$0x1480]  }
0x57: {  	s22 =	simm.s32 $0x80;
	s20 =	simm.s32 $0x10;
	v2 =	vld [tilespmem:s21+$0x200]  }
.LBB2_2:
0x58: {  	p1 =	sne.s32 s22, $0x7C0;
	v5 =	vld [tilespmem:s20+$0x0];
	_ =	sdelay $0x1  }
0x59: {  	v3 =	vadd.s32 v4, v3;
	v4 =	vshll.u32 v1, $0xA  }
0x5a: {  	v6 =	vmul.u32 $0x401, v1;
	vm0 =	vlt.s32 v3, v0;
	v4 =	vadd.s32 v4, v3  }
0x5b: {  	v3 =	vnsel vm0, $0x400, v3;
	v4 =	vnsel vm0, $0x0, v4;
	v2 =	vnsel vm0, $0x0, v2  }
0x5c: {  	v3 =	vadd.s32 v6, v3;
	[tilespmem:s21+$0x1080] =	vst v4;
	v1 =	vmov v5  }
0x5d: {  	[tilespmem:s21+$0xE80] =	vst v3  }
.Ltmp0:
0x5e: {  	[tilespmem:s21+$0x1280] =	vst v2;
	s21 =	smov.u32 s20;
	(pc) =	sbr.rel @p1 .LBB2_2-.Ltmp0, $3  }
0x5f: {  	v3 =	vld.idx.msk [tilespmem:v5+s18+$0x0], $0xffff  }
0x60: {  	v4 =	vld [tilespmem:s21+$0x400];
	_ =	sdelay $0x1  }
0x61: {  	s20 =	sshra.s32 s22, $0x2;
	s22 =	sadd.s32 $0x40, s22;
	v2 =	vld [tilespmem:s21+$0x200]  }
0x62: {  	_ = 	snop  }
0x63: {  	v5 =	vld [tilespmem:s20+$0x0]  }
0x64: {  	v58 =	vshll.u32 v1, $0xA;
	v3 =	vadd.s32 v4, v3  }
0x65: {  	vm0 =	vlt.s32 v3, v0;
	v4 =	vadd.s32 v58, v3  }
0x66: {  	v59 =	vmul.u32 $0x401, v1;
	v4 =	vnsel vm0, $0x0, v4  }
0x67: {  	v3 =	vnsel vm0, $0x400, v3;
	v2 =	vnsel vm0, $0x0, v2;
	[tilespmem:s21+$0x1080] =	vst v4  }
0x68: {  	v1 =	vadd.s32 v59, v3;
	[tilespmem:s21+$0x1280] =	vst v2  }
0x69: {  	[tilespmem:s21+$0xE80] =	vst v1  }
0x6a: {  	v2 =	vld [tilespmem:s20+$0x400]  }
0x6b: {  	v1 =	vld.idx.msk [tilespmem:v5+s18+$0x0], $0xffff;
	_ =	sdelay $0x2  }
0x6c: {  	v60 =	vld [tilespmem:s20+$0x200];
	_ =	sdelay $0x1  }
0x6d: {  	v61 =	vshll.u32 v5, $0xA;
	v1 =	vadd.s32 v2, v1  }
0x6e: {  	vm15 =	vlt.s32 v1, v0;
	v2 =	vadd.s32 v61, v1  }
0x6f: {  	v62 =	vmul.u32 $0x401, v5;
	v2 =	vnsel vm15, $0x0, v2  }
0x70: {  	v1 =	vnsel vm15, $0x400, v1;
	v63 =	vnsel vm15, $0x0, v60;
	[tilespmem:s20+$0x1080] =	vst v2  }
0x71: {  	v0 =	vadd.s32 v62, v1;
	[tilespmem:s20+$0x1280] =	vst v63  }
0x72: {  	s21 =	simm.s32 @!p6 $0xE80;
	[tilespmem:s20+$0xE80] =	vst v0;
	s20 =	simm.s32 @!p6 $0x0  }
0x73: {  	[hbm4b:s9+s20] =	stream.linear.scatter @!p6 [tilespmem:s21], [sflag:$0x1], $0x200, $0x38;
	[tilespmem:$0x1580] =	vst v63  }
0x74: {  	s21 =	simm.s32 @!p6 $0x1  }
0x75: {  	_ =	swait.ge @!p6 [sflag:s21], $0x200  }
0x76: {  	[sflag:s21] =	ssyncset.done @!p6 $0x0  }
0x77: {  	s22 =	simm.s32 @!p6 $0x1080;
	[sflag:s21] =	ssyncadd.s32 @!p6 $0xFFFFFE00  }
0x78: {  	[hbm4b:s10+s20] =	stream.linear.scatter @!p6 [tilespmem:s22], [sflag:$0x1], $0x200, $0x38;
	[tilespmem:$0x1580] =	vst v63  }
0x79: {  	s19 =	sadd.s32 $0x1, s19;
	_ =	swait.ge @!p6 [sflag:s21], $0x200  }
0x7a: {  	p1 =	sne.s32 s19, s12;
	[sflag:s21] =	ssyncset.done @!p6 $0x0  }
.Ltmp1:
0x7b: {  	s22 =	simm.s32 @!p6 $0x1280;
	[sflag:s21] =	ssyncadd.s32 @!p6 $0xFFFFFE00;
	(pc) =	sbr.rel @p1 .LBB2_1-.Ltmp1, $4  }
0x7c: {  	[hbm4b:s11+s20] =	stream.linear.scatter @!p6 [tilespmem:s22], [sflag:$0x1], $0x200, $0x38;
	[tilespmem:$0x1580] =	vst v63  }
0x7d: {  	_ =	swait.ge @!p6 [sflag:s21], $0x200  }
0x7e: {  	[sflag:s21] =	ssyncset.done @!p6 $0x0  }
0x7f: {  	[sflag:s21] =	ssyncadd.s32 @!p6 $0xFFFFFE00  }
0x80: {  	_ =	sfence.sel $0x180000  }
0x81: {  	[bflag:$0x0] =	sbarrier.arrive $0xFFFF  }
0x82: {  	p0 =	sne.s32 s3, $0x0;
	_ =	strace $0x9000004A  }
0x83: {  	s0 =	sadd.s32 @!p0 $0x100000, s0;
	[bflag:$0x2] =	sbarrier.arrive $0xFFFF  }
0x84: {  	[sflag:s0] =	ssyncadd.tile.s32 @!p0 $0x1;
	_ =	shalt  }
.Lfunc_end2:
_tile_overlayer_lowered:
.L_overlay_start_2:
0x85: {  	(tag) =	ssettag $0x2  }
0x86: {  	s0 =	rddreg [dreg:$0x0];
	s2 =	stileid.u32  }
0x87: {  	s1 =	rddreg [dreg:$0x1];
	p0 =	sne.s32 s2, $0x0  }
0x88: {  	s3 =	rddreg [dreg:$0x2];
	[bflag:$0x3] =	sbarrier.arrive $0xFFFF;
	s2 =	simm.s32 @!p0 $0x1C01  }
0x89: {  	[timem:s3], [sflag:s2] =	dma.local @!p0 [hbm:s0], s1  }
0x8a: {  	s0 =	simm.s32 @!p0 $0x1  }
0x8b: {  	_ =	swait.ge @!p0 [sflag:s0], s1  }
0x8c: {  	s1 =	ssub.s32 @!p0 $0x0, s1;
	[sflag:s0] =	ssyncset.done @!p0 $0x0  }
0x8d: {  	[sflag:s0] =	ssyncadd.s32 @!p0 s1  }
0x8e: {  	[bflag:$0x3] =	sbarrier.arrive $0xFFFF  }
0x8f: {  	_ =	shalt  }

// kernel: kernel.14.cloned.1.call-start
scs
__scs_entry_jumppad:
0x0: {  	(pc) =	sbr.rel $0x88, $3  }
0x1: {  	(tag) =	ssettag $0x0;
	lr =	simm.s32 $0x1  }
0x2: {  	[smem:$0x3F99] =	sst lr;
	_ =	strace $0xD0000000  }
0x3: {  	_ = 	snop  }
0x4: {  	_ = 	snop  }
0x5: {  	_ = 	snop  }
0x6: {  	_ = 	snop  }
0x7: {  	_ = 	snop  }
__scs_overlays_trampoline_lowered:
0x8: {  	[smem:$0x3FA8] =	sst s0  }
0x9: {  	[smem:$0x3FA9] =	sst s1  }
0xa: {  	[smem:$0x3FAA] =	sst s2  }
0xb: {  	[smem:$0x3FAB] =	sst s3  }
0xc: {  	[smem:$0x3FAC] =	sst s4  }
0xd: {  	[smem:$0x3FAD] =	sst s5  }
0xe: {  	[smem:$0x3FAE] =	sst s6  }
0xf: {  	[smem:$0x3FAF] =	sst s7  }
0x10: {  	[smem:$0x3FB0] =	sst s8  }
0x11: {  	[smem:$0x3FB1] =	sst s9;
	s0 =	simm.s32 @!p0 $0x0  }
0x12: {  	s1 =	sld [smem:$0x3F97];
	s0 =	simm.s32 @p0 $0x1  }
0x13: {  	[smem:$0x3FB2] =	sst s0;
	s0 =	simm.s32 @!p1 $0x0  }
0x14: {  	s2 =	sld [smem:$0x3F96];
	s0 =	simm.s32 @p1 $0x1  }
0x15: {  	[smem:$0x3FB3] =	sst s0;
	s0 =	simm.s32 @!p2 $0x0  }
0x16: {  	s3 =	sld [smem:$0x3FDB];
	s0 =	simm.s32 @p2 $0x1  }
0x17: {  	s4 =	simm.s32 $0x1BF5;
	[smem:$0x3FB5] =	sst s0  }
0x18: {  	s0 =	sld [smem:$0x3F98];
	_ =	swait.ge [sflag:s4], $0x0  }
0x19: {  	s7 =	sld [smem:$0x3F99]  }
0x1a: {  	s8 =	sadd.s32 $0xFFFFE003, lr  }
0x1b: {  	s9 =	sadd.s32 $0xFFFFFEF7, lr;
	s5 =	simm.s32 $0xFFFFFFFF;
	p2 =	slt.u32 s8, $0xFFFFF086  }
0x1c: {  	p1 =	slt.u32 s9, $0xF7A;
	s5 =	simm.s32 @!p2 $0x0  }
0x1d: {  	s5 =	simm.s32 @p1 $0x1;
	p0 =	seq.s32 s7, s2  }
0x1e: {  	s7 =	smul.u32 @!p0 $0xF7A, s2;
	p2 =	seq.s32 @!p0 s5, $0x0  }
0x1f: {  	s9 =	smul.u32 $0xF7A, s1;
	s8 =	simm.s32 @!p0 $0x1BF5;
	p2 =	por !p2, p0  }
0x20: {  	[sflag:s8] =	ssyncset.s32 @!p0 $0xFFFFF086;
	s6 =	sadd.s32 @!p0 s3, s7;
	s7 =	simm.s32 @!p0 $0x108  }
0x21: {  	s3 =	sadd.s32 s3, s9;
	s6 =	sadd.s32 @!p0 $0x88, s6;
	s7 =	simm.s32 @p2 $0x1082  }
0x22: {  	[simem:s7], [sflag:s8] =	dma.local @!p0 [hbm:s6], $0xF7A  }
0x23: {  	s9 =	sor.u32 $0xD0000000, s2;
	s6 =	simm.s32 $0x108;
	_ =	swait.ge @!p0 [sflag:s8], $0x0  }
0x24: {  	s3 =	sadd.s32 $0x88, s3;
	s6 =	simm.s32 @!p1 $0x1082;
	[sflag:s4] =	ssyncset.s32 $0xFFFFF086  }
0x25: {  	[simem:s6], [sflag:s4] =	dma.local [hbm:s3], $0xF7A  }
0x26: {  	[smem:$0x3F99] =	sst s1;
	(tag) =	ssettag s2;
	_ =	strace s9  }
0x27: {  	s1 =	sld [smem:$0x3FA9]  }
0x28: {  	s2 =	sld [smem:$0x3FAA]  }
0x29: {  	s4 =	sld [smem:$0x3FAC]  }
0x2a: {  	p0 =	seq.s32 s5, $0x0;
	s5 =	sld [smem:$0x3FAD]  }
0x2b: {  	s6 =	sld [smem:$0x3FAE]  }
0x2c: {  	s7 =	sld [smem:$0x3FAF]  }
0x2d: {  	s3 =	simm.s32 $0x108;
	s8 =	sld [smem:$0x3FB0]  }
0x2e: {  	s3 =	simm.s32 @!p0 $0x1082;
	s9 =	sld [smem:$0x3FB1]  }
0x2f: {  	lr =	sadd.s32 s0, s3;
	s0 =	sld [smem:$0x3FA8]  }
0x30: {  	s3 =	sld [smem:$0x3FAB]  }
0x31: {  	[smem:$0x3FB4] =	sst s10  }
0x32: {  	s10 =	sld [smem:$0x3FB2];
	_ =	sdelay $0x3  }
0x33: {  	p0 =	seq.s32 s10, $0x1;
	s10 =	sld [smem:$0x3FB4];
	_ =	sdelay $0x3  }
0x34: {  	[smem:$0x3FB4] =	sst s10  }
0x35: {  	s10 =	sld [smem:$0x3FB3];
	_ =	sdelay $0x3  }
0x36: {  	p1 =	seq.s32 s10, $0x1;
	s10 =	sld [smem:$0x3FB4];
	_ =	sdelay $0x3  }
0x37: {  	[smem:$0x3FB4] =	sst s10  }
0x38: {  	s10 =	sld [smem:$0x3FB5]  }
0x39: {  	_ = 	snop;
	(pc) =	sbr.ind lr, $3  }
0x3a: {  	_ = 	snop  }
0x3b: {  	_ = 	snop  }
0x3c: {  	p2 =	seq.s32 s10, $0x1;
	s10 =	sld [smem:$0x3FB4]  }
0x3d: {  	_ =	shalt  }
0x3e: {  	_ =	shalt  }
0x3f: {  	_ =	shalt  }
0x40: {  	_ =	shalt  }
0x41: {  	_ =	shalt  }
0x42: {  	_ =	shalt  }
0x43: {  	_ =	shalt  }
0x44: {  	_ =	shalt  }
0x45: {  	_ =	shalt  }
0x46: {  	_ =	shalt  }
0x47: {  	_ =	shalt  }
0x48: {  	_ =	shalt  }
0x49: {  	_ =	shalt  }
0x4a: {  	_ =	shalt  }
0x4b: {  	_ =	shalt  }
0x4c: {  	_ =	shalt  }
0x4d: {  	_ =	shalt  }
0x4e: {  	_ =	shalt  }
0x4f: {  	_ =	shalt  }
0x50: {  	_ =	shalt  }
0x51: {  	_ =	shalt  }
0x52: {  	_ =	shalt  }
0x53: {  	_ =	shalt  }
0x54: {  	_ =	shalt  }
0x55: {  	_ =	shalt  }
0x56: {  	_ =	shalt  }
0x57: {  	_ =	shalt  }
0x58: {  	_ =	shalt  }
0x59: {  	_ =	shalt  }
0x5a: {  	_ =	shalt  }
0x5b: {  	_ =	shalt  }
0x5c: {  	_ =	shalt  }
0x5d: {  	_ =	shalt  }
0x5e: {  	_ =	shalt  }
0x5f: {  	_ =	shalt  }
0x60: {  	_ =	shalt  }
0x61: {  	_ =	shalt  }
0x62: {  	_ =	shalt  }
0x63: {  	_ =	shalt  }
0x64: {  	_ =	shalt  }
0x65: {  	_ =	shalt  }
0x66: {  	_ =	shalt  }
0x67: {  	_ =	shalt  }
0x68: {  	_ =	shalt  }
0x69: {  	_ =	shalt  }
0x6a: {  	_ =	shalt  }
0x6b: {  	_ =	shalt  }
0x6c: {  	_ =	shalt  }
0x6d: {  	_ =	shalt  }
0x6e: {  	_ =	shalt  }
0x6f: {  	_ =	shalt  }
0x70: {  	_ =	shalt  }
0x71: {  	_ =	shalt  }
0x72: {  	_ =	shalt  }
0x73: {  	_ =	shalt  }
0x74: {  	_ =	shalt  }
0x75: {  	_ =	shalt  }
0x76: {  	_ =	shalt  }
0x77: {  	_ =	shalt  }
0x78: {  	_ =	shalt  }
0x79: {  	_ =	shalt  }
0x7a: {  	_ =	shalt  }
0x7b: {  	_ =	shalt  }
0x7c: {  	_ =	shalt  }
0x7d: {  	_ =	shalt  }
0x7e: {  	_ =	shalt  }
0x7f: {  	_ =	shalt  }
0x80: {  	_ =	shalt  }
0x81: {  	_ =	shalt  }
0x82: {  	_ =	shalt  }
0x83: {  	_ =	shalt  }
0x84: {  	_ =	shalt  }
0x85: {  	_ =	shalt  }
0x86: {  	_ =	shalt  }
0x87: {  	_ =	shalt  }
.Lfunc_end0:
.L_simem_size_0:
called_computation.2_lowered:
.L_overlay_start_0:
0x88: {  	s2 =	sld [smem:$0x3FD9]  }
0x89: {  	s3 =	sld [smem:$0x3FFE];
	_ =	sdelay $0x1  }
0x8a: {  	s1 =	srdreg.scid  }
0x8b: {  	s0 =	sand.u32 $0x1, s1  }
0x8c: {  	s14 =	sshll.u32 s0, $0xA;
	s2 =	sadd.s32 s3, s2  }
0x8d: {  	s2 =	sadd.s32 s2, s14  }
0x8e: {  	[smem:$0x3FC0] =	sst s2  }
0x8f: {  	_ = 	snop  }
0x90: {  	s2 =	sld [smem:$0x3FD0];
	_ =	sdelay $0x2  }
0x91: {  	s4 =	simm.s32 $0xA;
	s5 =	simm.s32 $0x10;
	s15 =	sld [smem:$0x3FC9]  }
0x92: {  	[smem:s5], [sflag:s4] =	dma.local [hbm:s2], $0x1  }
0x93: {  	_ =	swait.eq [sflag:s4], $0x1  }
0x94: {  	[sflag:s4] =	ssyncset.done $0x0  }
0x95: {  	[sflag:s4] =	ssyncadd.s32 $0xFFFFFFFF  }
0x96: {  	s16 =	sld [smem:$0x10];
	(tm) =	ssettm $0x1  }
0x97: {  	s17 =	sld [smem:$0x3FFB];
	_ =	sdelay $0x3  }
0x98: {  	_ =	strace s17  }
0x99: {  	s4 =	sld [smem:$0x3FFC];
	_ =	sdelay $0x3  }
0x9a: {  	_ =	strace s4  }
0x9b: {  	s4 =	sld [smem:$0x3FFD];
	_ =	sdelay $0x3  }
0x9c: {  	_ =	strace s4  }
0x9d: {  	_ =	strace $0x8FFFFFFF  }
0x9e: {  	s18 =	sld [smem:$0x3FDB];
	_ =	sdelay $0x1  }
0x9f: {  	s19 =	simm.s32 $_scs_section_size  }
0xa0: {  	s6 =	simm.s32 $_size__tile_overlayer_lowered;
	s7 =	simm.s32 $_tile_overlayer_lowered  }
0xa1: {  	s22 =	simm.s32 $0x1BFF;
	s21 =	sshll.u32 s7, $0x1;
	s4 =	sadd.s32 s19, s18  }
0xa2: {  	s8 =	simm.s32 $0x0;
	s20 =	sshll.u32 s6, $0x1;
	s6 =	sadd.s32 s21, s4  }
0xa3: {  	[timem:s8], [sflag:s22] =	dma.local [hbm:s6], s20  }
0xa4: {  	_ =	swait.ge [sflag:s22], s20  }
0xa5: {  	s5 =	ssub.s32 $0x0, s20;
	[sflag:s22] =	ssyncset.done $0x0  }
0xa6: {  	[sflag:s22] =	ssyncadd.s32 s5;
	_ =	sdelay $0x1  }
0xa7: {  	s23 =	simm.s32 $0x1B8B  }
0xa8: {  	_ =	swait.ge [sflag:s23], $0x1  }
0xa9: {  	[sflag:s23] =	ssyncset.done $0x0  }
0xaa: {  	s25 =	simm.s32 $0x1B8E;
	s24 =	sld [smem:$0x3FFE];
	[sflag:s23] =	ssyncadd.s32 $0xFFFFFFFF  }
0xab: {  	s26 =	simm.s32 $execute0_lowered;
	[smem:$0x3FD2] =	sst s25  }
0xac: {  	s6 =	sshll.u32 s26, $0x1;
	_ =	strace $0x8000004C;
	[dreg:$0x1] =	wrdreg $0xFFFFFFFF  }
0xad: {  	s28 =	simm.s32 $_size_execute0_lowered;
	s4 =	sadd.s32 s4, s6;
	[dreg:$0x0] =	wrdreg $0x0  }
0xae: {  	s6 =	sshll.u32 s28, $0x1;
	[dreg:$0x2] =	wrdreg s4  }
0xaf: {  	[dreg:$0x3] =	wrdreg s6  }
0xb0: {  	[dreg:$0x4] =	wrdreg $0xC0  }
0xb1: {  	_ =	task [dreg:s8], $0x5FFFF  }
0xb2: {  	[dreg:$0x1] =	wrdreg $0xFFFFFFFF  }
0xb3: {  	[dreg:$0x0] =	wrdreg $0x60  }
0xb4: {  	[dreg:$0x2] =	wrdreg s15  }
0xb5: {  	[dreg:$0x3] =	wrdreg s16  }
0xb6: {  	[dreg:$0x4] =	wrdreg s24  }
0xb7: {  	[dreg:$0x5] =	wrdreg $0x9  }
0xb8: {  	_ =	task.clear_ibuf [dreg:s8], $0x6FFFF;
	_ =	strace $0x9000004C  }
0xb9: {  	s29 =	simm.s32 $0x9;
	_ =	strace $0x8000004E  }
0xba: {  	_ =	swait.ge [sflag:s29], $0x1  }
0xbb: {  	[sflag:s29] =	ssyncadd.s32 $0xFFFFFFFF  }
0xbc: {  	_ =	strace $0x9000004E  }
0xbd: {  	_ =	sfence  }
0xbe: {  	s30 =	sld [smem:$0x0];
	_ =	sdelay $0x2  }
0xbf: {  	s31 =	sshll.u32 s1, $0xD;
	s1 =	sshrl.u32 s1, $0x2  }
0xc0: {  	s3 =	sand.u32 $0x4000, s31;
	s1 =	sadd.s32 s1, s30  }
0xc1: {  	s0 =	sor.u32 s3, s0;
	s1 =	sshll.u32 s1, $0x11  }
0xc2: {  	s0 =	sor.u32 s1, s0  }
0xc3: {  	s0 =	sadd.s32 $0x8F2B, s0  }
0xc4: {  	[sflag:s0] =	ssyncadd.remote.s32 $0x1  }
0xc5: {  	_ =	sfence.sel $0xFFFF  }
0xc6: {  	[dreg:$0x0] =	wrdreg $0xFFFFFFFF;
	(pc) =	sbr.abs _section_cstart, $3  }
0xc7: {  	[dreg:$0x1] =	wrdreg $0xFFFFFFFF  }
0xc8: {  	_ =	task.clear_ibuf [dreg:s8], $0x2FFFF;
	_ =	strace $0x9FFFFFFF  }
0xc9: {  	(tm) =	ssettm $0x7FFFFFFF  }
tec
execute0_lowered:
.L_overlay_start_1:
0x0: {  	(tag) =	ssettag $0x1  }
0x1: {  	s8 =	rddreg [dreg:$0x0]  }
0x2: {  	s4 =	rddreg [dreg:$0x1]  }
0x3: {  	s7 =	rddreg [dreg:$0x2]  }
0x4: {  	s0 =	rddreg [dreg:$0x3];
	s2 =	simm.s32 $0x0;
	s3 =	srdreg.scid  }
0x5: {  	s1 =	stileid.u32;
	s12 =	simm.s32 $0x900;
	s13 =	simm.s32 $0x1100  }
0x6: {  	s14 =	simm.s32 $0x1900;
	s15 =	simm.s32 $0x2100;
	s16 =	simm.s32 $0x2900  }
0x7: {  	s17 =	simm.s32 $0x3100;
	s18 =	simm.s32 $0x3900;
	s19 =	simm.s32 $0x4100  }
0x8: {  	s20 =	simm.s32 $0x4900;
	s21 =	simm.s32 $0x5100;
	s22 =	simm.s32 $0x5900  }
0x9: {  	s23 =	simm.s32 $0x6100;
	s24 =	simm.s32 $0x6900;
	s25 =	simm.s32 $0x7100  }
0xa: {  	s26 =	simm.s32 $0x7900;
	s28 =	simm.s32 $0x1;
	s29 =	simm.s32 $0x0  }
0xb: {  	[smem:$0x7FF] =	sst s2;
	s9 =	sand.u32 $0x1, s3;
	s31 =	sshll.u32 s1, $0x6  }
0xc: {  	s3 =	sadd.s32 $0x2E00, s7;
	s11 =	sshll.u32 s1, $0xF;
	s5 =	ssub.s32 $0x2, s9  }
0xd: {  	s6 =	sshll.u32 s9, $0x5;
	_ =	strace $0x8000004D;
	s11 =	sadd.s32 s11, s8  }
0xe: {  	v6 =	vlaneseq.u32;
	s9 =	sshll.u32 s9, $0xE;
	s10 =	sshrl.u32 s5, $0x1;
	s6 =	sor.u32 s6, s31  }
0xf: {  	vm0 =	vmmov $0xffff;
	v0 =	vmul.u32 $0x2, v6;
	v5 =	vshrl.u32 v6, $0x3;
	s9 =	sadd.s32 s9, s11;
	s11 =	simm.s32 $0x100;
	s10 =	ssub.s32 s5, s10  }
0x10: {  	v4 =	vand.u32 $0x7, v6;
	v6 =	vor.u32 $0x8, v6;
	v5 =	vmul.u32 $0x8, v5;
	s4 =	sadd.s32 s4, s6;
	s5 =	sadd.s32 $0x2F00, s7;
	s6 =	sadd.s32 $0x3000, s7  }
0x11: {  	v1 =	vor.u32 $0x1, v0;
	v2 =	vor.u32 $0x20, v0;
	v3 =	vor.u32 $0x21, v0;
	s7 =	sadd.s32 $0x3100, s7;
	s8 =	smax.u32 s10, $0x1;
	s10 =	simm.s32 $0x2  }
.LBB2_1:
0x12: {  	[tilespmem:s2], [sflag:$0x2] =	stream.linear.gather [hbm4b:s4+s2], $0x100, $0x38;
	[tilespmem:$0x8200] =	vst v63  }
0x13: {  	_ =	swait.ge [sflag:s10], $0x100  }
0x14: {  	[sflag:s10] =	ssyncset.done $0x0  }
0x15: {  	s30 =	smov.u32 s9;
	s31 =	simm.s32 $0x0;
	[sflag:s10] =	ssyncadd.s32 $0xFFFFFF00  }
.LBB2_2:
0x16: {  	v7 =	vor.u32 s31, v0;
	_ =	sdelay $0x4  }
0x17: {  	v7 =	vld.idx.msk [tilespmem:v7+s2+$0x0], $0xffff  }
0x18: {  	v8 =	vor.u32 s31, v1;
	_ =	sdelay $0x3  }
0x19: {  	[tilespmem:$0x8100] =	vst v7  }
0x1a: {  	v7 =	vld.idx.msk [tilespmem:v8+s2+$0x0], $0xffff  }
0x1b: {  	v8 =	vor.u32 s31, v2;
	_ =	sdelay $0x3  }
0x1c: {  	[tilespmem:$0x8180] =	vst v7  }
0x1d: {  	v7 =	vld.idx.msk [tilespmem:v8+s2+$0x0], $0xffff  }
0x1e: {  	v8 =	vor.u32 s31, v3;
	_ =	sdelay $0x3  }
0x1f: {  	[tilespmem:$0x8110] =	vst v7  }
0x20: {  	v7 =	vld.idx.msk [tilespmem:v8+s2+$0x0], $0xffff;
	_ =	sdelay $0x4  }
0x21: {  	[tilespmem:$0x8190] =	vst v7  }
0x22: {  	[tilespmem:s11], [sflag:$0x2] =	stream.linear.gather [hbm4b:s30+s2], $0x8000, $0x38;
	[tilespmem:$0x8200] =	vst v63  }
0x23: {  	_ =	swait.ge [sflag:s10], $0x8000  }
0x24: {  	[sflag:s10] =	ssyncset.done $0x0  }
0x25: {  	[sflag:s10] =	ssyncadd.s32 $0xFFFF8000  }
0x26: {  	v7 =	vld [tilespmem:$0x8100];
	_ =	sdelay $0x4  }
0x27: {  	v8 =	vshll.u32 v7, $0x3  }
0x28: {  	v7 =	vand.u32 $0x7, v7;
	v8 =	vand.u32 $0xFFFFFFC0, v8  }
0x29: {  	v7 =	vor.u32 v7, v8  }
0x2a: {  	v8 =	vperm.xlane v7, v4;
	_ =	sdelay $0x1  }
0x2b: {  	v8 =	vadd.s32 v5, v8;
	_ =	sdelay $0x4  }
0x2c: {  	[hbm4b:s3+s2] =	stream.indirect_vreg.scatter [tilespmem:s11], [sflag:$0x1], $0x80, v8, vm0, $0xb8;
	[tilespmem:$0x8200] =	vst v63  }
0x2d: {  	v7 =	vperm.xlane v7, v6  }
0x2e: {  	[hbm4b:s5+s2] =	stream.indirect_vreg.scatter [tilespmem:s12], [sflag:$0x1], $0x80, v8, vm0, $0xb8;
	[tilespmem:$0x8200] =	vst v63  }
0x2f: {  	v7 =	vadd.s32 v5, v7  }
0x30: {  	[hbm4b:s6+s2] =	stream.indirect_vreg.scatter [tilespmem:s13], [sflag:$0x1], $0x80, v8, vm0, $0xb8;
	[tilespmem:$0x8200] =	vst v63  }
0x31: {  	_ = 	snop  }
0x32: {  	[hbm4b:s7+s2] =	stream.indirect_vreg.scatter [tilespmem:s14], [sflag:$0x1], $0x80, v8, vm0, $0xb8;
	[tilespmem:$0x8200] =	vst v63  }
0x33: {  	_ = 	snop  }
0x34: {  	[hbm4b:s3+s2] =	stream.indirect_vreg.scatter [tilespmem:s15], [sflag:$0x1], $0x80, v7, vm0, $0xb8;
	[tilespmem:$0x8200] =	vst v63  }
0x35: {  	_ = 	snop  }
0x36: {  	[hbm4b:s5+s2] =	stream.indirect_vreg.scatter [tilespmem:s16], [sflag:$0x1], $0x80, v7, vm0, $0xb8;
	[tilespmem:$0x8200] =	vst v63  }
0x37: {  	_ = 	snop  }
0x38: {  	[hbm4b:s6+s2] =	stream.indirect_vreg.scatter [tilespmem:s17], [sflag:$0x1], $0x80, v7, vm0, $0xb8;
	[tilespmem:$0x8200] =	vst v63  }
0x39: {  	_ = 	snop  }
0x3a: {  	[hbm4b:s7+s2] =	stream.indirect_vreg.scatter [tilespmem:s18], [sflag:$0x1], $0x80, v7, vm0, $0xb8;
	[tilespmem:$0x8200] =	vst v63  }
0x3b: {  	v7 =	vld [tilespmem:$0x8110];
	_ =	sdelay $0x4  }
0x3c: {  	v8 =	vshll.u32 v7, $0x3  }
0x3d: {  	v7 =	vand.u32 $0x7, v7;
	v8 =	vand.u32 $0xFFFFFFC0, v8  }
0x3e: {  	v7 =	vor.u32 v7, v8  }
0x3f: {  	v8 =	vperm.xlane v7, v4;
	_ =	sdelay $0x1  }
0x40: {  	v8 =	vadd.s32 v5, v8;
	_ =	sdelay $0x4  }
0x41: {  	[hbm4b:s3+s2] =	stream.indirect_vreg.scatter [tilespmem:s19], [sflag:$0x1], $0x80, v8, vm0, $0xb8;
	[tilespmem:$0x8200] =	vst v63  }
0x42: {  	v7 =	vperm.xlane v7, v6  }
0x43: {  	[hbm4b:s5+s2] =	stream.indirect_vreg.scatter [tilespmem:s20], [sflag:$0x1], $0x80, v8, vm0, $0xb8;
	[tilespmem:$0x8200] =	vst v63  }
0x44: {  	v7 =	vadd.s32 v5, v7  }
0x45: {  	[hbm4b:s6+s2] =	stream.indirect_vreg.scatter [tilespmem:s21], [sflag:$0x1], $0x80, v8, vm0, $0xb8;
	[tilespmem:$0x8200] =	vst v63  }
0x46: {  	_ = 	snop  }
0x47: {  	[hbm4b:s7+s2] =	stream.indirect_vreg.scatter [tilespmem:s22], [sflag:$0x1], $0x80, v8, vm0, $0xb8;
	[tilespmem:$0x8200] =	vst v63  }
0x48: {  	_ = 	snop  }
0x49: {  	[hbm4b:s3+s2] =	stream.indirect_vreg.scatter [tilespmem:s23], [sflag:$0x1], $0x80, v7, vm0, $0xb8;
	[tilespmem:$0x8200] =	vst v63  }
0x4a: {  	_ = 	snop  }
0x4b: {  	[hbm4b:s5+s2] =	stream.indirect_vreg.scatter [tilespmem:s24], [sflag:$0x1], $0x80, v7, vm0, $0xb8;
	[tilespmem:$0x8200] =	vst v63  }
0x4c: {  	_ = 	snop  }
0x4d: {  	[hbm4b:s6+s2] =	stream.indirect_vreg.scatter [tilespmem:s25], [sflag:$0x1], $0x80, v7, vm0, $0xb8;
	[tilespmem:$0x8200] =	vst v63  }
0x4e: {  	_ = 	snop  }
0x4f: {  	[hbm4b:s7+s2] =	stream.indirect_vreg.scatter [tilespmem:s26], [sflag:$0x1], $0x80, v7, vm0, $0xb8;
	[tilespmem:$0x8200] =	vst v63  }
0x50: {  	_ =	swait.ge [sflag:s28], $0x8000  }
0x51: {  	[sflag:s28] =	ssyncset.done $0x0  }
0x52: {  	[sflag:s28] =	ssyncadd.s32 $0xFFFF8000  }
0x53: {  	v7 =	vld [tilespmem:$0x8180];
	_ =	sdelay $0x4  }
0x54: {  	v8 =	vshll.u32 v7, $0x3  }
0x55: {  	v7 =	vand.u32 $0x7, v7;
	v8 =	vand.u32 $0xFFFFFFC0, v8  }
0x56: {  	v7 =	vor.u32 v7, v8  }
0x57: {  	v8 =	vperm.xlane v7, v4;
	_ =	sdelay $0x1  }
0x58: {  	v8 =	vadd.s32 v5, v8;
	_ =	sdelay $0x4  }
0x59: {  	[hbm4b:s3+s2] =	stream.indirect_vreg.scatter [tilespmem:s11], [sflag:$0x1], $0x80, v8, vm0, $0xb8;
	[tilespmem:$0x8200] =	vst v63  }
0x5a: {  	v7 =	vperm.xlane v7, v6  }
0x5b: {  	[hbm4b:s5+s2] =	stream.indirect_vreg.scatter [tilespmem:s12], [sflag:$0x1], $0x80, v8, vm0, $0xb8;
	[tilespmem:$0x8200] =	vst v63  }
0x5c: {  	v7 =	vadd.s32 v5, v7  }
0x5d: {  	[hbm4b:s6+s2] =	stream.indirect_vreg.scatter [tilespmem:s13], [sflag:$0x1], $0x80, v8, vm0, $0xb8;
	[tilespmem:$0x8200] =	vst v63  }
0x5e: {  	_ = 	snop  }
0x5f: {  	[hbm4b:s7+s2] =	stream.indirect_vreg.scatter [tilespmem:s14], [sflag:$0x1], $0x80, v8, vm0, $0xb8;
	[tilespmem:$0x8200] =	vst v63  }
0x60: {  	_ = 	snop  }
0x61: {  	[hbm4b:s3+s2] =	stream.indirect_vreg.scatter [tilespmem:s15], [sflag:$0x1], $0x80, v7, vm0, $0xb8;
	[tilespmem:$0x8200] =	vst v63  }
0x62: {  	_ = 	snop  }
0x63: {  	[hbm4b:s5+s2] =	stream.indirect_vreg.scatter [tilespmem:s16], [sflag:$0x1], $0x80, v7, vm0, $0xb8;
	[tilespmem:$0x8200] =	vst v63  }
0x64: {  	_ = 	snop  }
0x65: {  	[hbm4b:s6+s2] =	stream.indirect_vreg.scatter [tilespmem:s17], [sflag:$0x1], $0x80, v7, vm0, $0xb8;
	[tilespmem:$0x8200] =	vst v63  }
0x66: {  	_ = 	snop  }
0x67: {  	[hbm4b:s7+s2] =	stream.indirect_vreg.scatter [tilespmem:s18], [sflag:$0x1], $0x80, v7, vm0, $0xb8;
	[tilespmem:$0x8200] =	vst v63  }
0x68: {  	v7 =	vld [tilespmem:$0x8190];
	_ =	sdelay $0x4  }
0x69: {  	v8 =	vshll.u32 v7, $0x3  }
0x6a: {  	v7 =	vand.u32 $0x7, v7;
	v8 =	vand.u32 $0xFFFFFFC0, v8  }
0x6b: {  	v7 =	vor.u32 v7, v8  }
0x6c: {  	v8 =	vperm.xlane v7, v4;
	_ =	sdelay $0x1  }
0x6d: {  	v8 =	vadd.s32 v5, v8;
	_ =	sdelay $0x4  }
0x6e: {  	[hbm4b:s3+s2] =	stream.indirect_vreg.scatter [tilespmem:s19], [sflag:$0x1], $0x80, v8, vm0, $0xb8;
	[tilespmem:$0x8200] =	vst v63  }
0x6f: {  	v7 =	vperm.xlane v7, v6  }
0x70: {  	[hbm4b:s5+s2] =	stream.indirect_vreg.scatter [tilespmem:s20], [sflag:$0x1], $0x80, v8, vm0, $0xb8;
	[tilespmem:$0x8200] =	vst v63  }
0x71: {  	v7 =	vadd.s32 v5, v7  }
0x72: {  	[hbm4b:s6+s2] =	stream.indirect_vreg.scatter [tilespmem:s21], [sflag:$0x1], $0x80, v8, vm0, $0xb8;
	[tilespmem:$0x8200] =	vst v63  }
0x73: {  	_ = 	snop  }
0x74: {  	[hbm4b:s7+s2] =	stream.indirect_vreg.scatter [tilespmem:s22], [sflag:$0x1], $0x80, v8, vm0, $0xb8;
	[tilespmem:$0x8200] =	vst v63  }
0x75: {  	_ = 	snop  }
0x76: {  	[hbm4b:s3+s2] =	stream.indirect_vreg.scatter [tilespmem:s23], [sflag:$0x1], $0x80, v7, vm0, $0xb8;
	[tilespmem:$0x8200] =	vst v63  }
0x77: {  	_ = 	snop  }
0x78: {  	[hbm4b:s5+s2] =	stream.indirect_vreg.scatter [tilespmem:s24], [sflag:$0x1], $0x80, v7, vm0, $0xb8;
	[tilespmem:$0x8200] =	vst v63  }
0x79: {  	p0 =	sne.s32 s31, $0xC0  }
0x7a: {  	[hbm4b:s6+s2] =	stream.indirect_vreg.scatter [tilespmem:s25], [sflag:$0x1], $0x80, v7, vm0, $0xb8;
	[tilespmem:$0x8200] =	vst v63  }
.Ltmp0:
0x7b: {  	_ = 	snop;
	(pc) =	sbr.rel @p0 .LBB2_2-.Ltmp0, $4  }
0x7c: {  	[hbm4b:s7+s2] =	stream.indirect_vreg.scatter [tilespmem:s26], [sflag:$0x1], $0x80, v7, vm0, $0xb8;
	[tilespmem:$0x8200] =	vst v63  }
0x7d: {  	_ =	swait.ge [sflag:s28], $0x8000  }
0x7e: {  	[sflag:s28] =	ssyncset.done $0x0  }
0x7f: {  	s31 =	sadd.s32 $0x40, s31;
	s30 =	sadd.s32 $0x1000, s30;
	[sflag:s28] =	ssyncadd.s32 $0xFFFF8000  }
0x80: {  	s29 =	sadd.s32 $0x1, s29  }
0x81: {  	p0 =	sne.s32 s29, s8  }
.Ltmp1:
0x82: {  	_ = 	snop;
	(pc) =	sbr.rel @p0 .LBB2_1-.Ltmp1, $1  }
0x83: {  	_ =	sdelay $0x3  }
0x84: {  	_ =	sfence.sel $0x180000  }
0x85: {  	[bflag:$0x0] =	sbarrier.arrive $0xFFFF  }
0x86: {  	p0 =	sne.s32 s1, $0x0;
	_ =	strace $0x9000004D  }
0x87: {  	s0 =	sadd.s32 @!p0 $0x100000, s0;
	[bflag:$0x2] =	sbarrier.arrive $0xFFFF  }
0x88: {  	[sflag:s0] =	ssyncadd.tile.s32 @!p0 $0x1;
	_ =	shalt  }
.Lfunc_end2:
_tile_overlayer_lowered:
.L_overlay_start_2:
0x89: {  	(tag) =	ssettag $0x2  }
0x8a: {  	s0 =	rddreg [dreg:$0x0];
	s2 =	stileid.u32  }
0x8b: {  	s1 =	rddreg [dreg:$0x1];
	p0 =	sne.s32 s2, $0x0  }
0x8c: {  	s3 =	rddreg [dreg:$0x2];
	[bflag:$0x3] =	sbarrier.arrive $0xFFFF;
	s2 =	simm.s32 @!p0 $0x1C02  }
0x8d: {  	[timem:s3], [sflag:s2] =	dma.local @!p0 [hbm:s0], s1  }
0x8e: {  	s0 =	simm.s32 @!p0 $0x2  }
0x8f: {  	_ =	swait.ge @!p0 [sflag:s0], s1  }
0x90: {  	s1 =	ssub.s32 @!p0 $0x0, s1;
	[sflag:s0] =	ssyncset.done @!p0 $0x0  }
0x91: {  	[sflag:s0] =	ssyncadd.s32 @!p0 s1  }
0x92: {  	[bflag:$0x3] =	sbarrier.arrive $0xFFFF  }
0x93: {  	_ =	shalt  }

// kernel: kernel.17.cloned.1.call-start
scs
__scs_entry_jumppad:
0x0: {  	(pc) =	sbr.rel $0x88, $3  }
0x1: {  	(tag) =	ssettag $0x0;
	lr =	simm.s32 $0x1  }
0x2: {  	[smem:$0x3F99] =	sst lr;
	_ =	strace $0xD0000000  }
0x3: {  	_ = 	snop  }
0x4: {  	_ = 	snop  }
0x5: {  	_ = 	snop  }
0x6: {  	_ = 	snop  }
0x7: {  	_ = 	snop  }
__scs_overlays_trampoline_lowered:
0x8: {  	[smem:$0x3FA8] =	sst s0  }
0x9: {  	[smem:$0x3FA9] =	sst s1  }
0xa: {  	[smem:$0x3FAA] =	sst s2  }
0xb: {  	[smem:$0x3FAB] =	sst s3  }
0xc: {  	[smem:$0x3FAC] =	sst s4  }
0xd: {  	[smem:$0x3FAD] =	sst s5  }
0xe: {  	[smem:$0x3FAE] =	sst s6  }
0xf: {  	[smem:$0x3FAF] =	sst s7  }
0x10: {  	[smem:$0x3FB0] =	sst s8  }
0x11: {  	[smem:$0x3FB1] =	sst s9;
	s0 =	simm.s32 @!p0 $0x0  }
0x12: {  	s1 =	sld [smem:$0x3F97];
	s0 =	simm.s32 @p0 $0x1  }
0x13: {  	[smem:$0x3FB2] =	sst s0;
	s0 =	simm.s32 @!p1 $0x0  }
0x14: {  	s2 =	sld [smem:$0x3F96];
	s0 =	simm.s32 @p1 $0x1  }
0x15: {  	[smem:$0x3FB3] =	sst s0;
	s0 =	simm.s32 @!p2 $0x0  }
0x16: {  	s3 =	sld [smem:$0x3FDB];
	s0 =	simm.s32 @p2 $0x1  }
0x17: {  	s4 =	simm.s32 $0x1BF5;
	[smem:$0x3FB5] =	sst s0  }
0x18: {  	s0 =	sld [smem:$0x3F98];
	_ =	swait.ge [sflag:s4], $0x0  }
0x19: {  	s7 =	sld [smem:$0x3F99]  }
0x1a: {  	s8 =	sadd.s32 $0xFFFFE003, lr  }
0x1b: {  	s9 =	sadd.s32 $0xFFFFFEF7, lr;
	s5 =	simm.s32 $0xFFFFFFFF;
	p2 =	slt.u32 s8, $0xFFFFF086  }
0x1c: {  	p1 =	slt.u32 s9, $0xF7A;
	s5 =	simm.s32 @!p2 $0x0  }
0x1d: {  	s5 =	simm.s32 @p1 $0x1;
	p0 =	seq.s32 s7, s2  }
0x1e: {  	s7 =	smul.u32 @!p0 $0xF7A, s2;
	p2 =	seq.s32 @!p0 s5, $0x0  }
0x1f: {  	s9 =	smul.u32 $0xF7A, s1;
	s8 =	simm.s32 @!p0 $0x1BF5;
	p2 =	por !p2, p0  }
0x20: {  	[sflag:s8] =	ssyncset.s32 @!p0 $0xFFFFF086;
	s6 =	sadd.s32 @!p0 s3, s7;
	s7 =	simm.s32 @!p0 $0x108  }
0x21: {  	s3 =	sadd.s32 s3, s9;
	s6 =	sadd.s32 @!p0 $0x88, s6;
	s7 =	simm.s32 @p2 $0x1082  }
0x22: {  	[simem:s7], [sflag:s8] =	dma.local @!p0 [hbm:s6], $0xF7A  }
0x23: {  	s9 =	sor.u32 $0xD0000000, s2;
	s6 =	simm.s32 $0x108;
	_ =	swait.ge @!p0 [sflag:s8], $0x0  }
0x24: {  	s3 =	sadd.s32 $0x88, s3;
	s6 =	simm.s32 @!p1 $0x1082;
	[sflag:s4] =	ssyncset.s32 $0xFFFFF086  }
0x25: {  	[simem:s6], [sflag:s4] =	dma.local [hbm:s3], $0xF7A  }
0x26: {  	[smem:$0x3F99] =	sst s1;
	(tag) =	ssettag s2;
	_ =	strace s9  }
0x27: {  	s1 =	sld [smem:$0x3FA9]  }
0x28: {  	s2 =	sld [smem:$0x3FAA]  }
0x29: {  	s4 =	sld [smem:$0x3FAC]  }
0x2a: {  	p0 =	seq.s32 s5, $0x0;
	s5 =	sld [smem:$0x3FAD]  }
0x2b: {  	s6 =	sld [smem:$0x3FAE]  }
0x2c: {  	s7 =	sld [smem:$0x3FAF]  }
0x2d: {  	s3 =	simm.s32 $0x108;
	s8 =	sld [smem:$0x3FB0]  }
0x2e: {  	s3 =	simm.s32 @!p0 $0x1082;
	s9 =	sld [smem:$0x3FB1]  }
0x2f: {  	lr =	sadd.s32 s0, s3;
	s0 =	sld [smem:$0x3FA8]  }
0x30: {  	s3 =	sld [smem:$0x3FAB]  }
0x31: {  	[smem:$0x3FB4] =	sst s10  }
0x32: {  	s10 =	sld [smem:$0x3FB2];
	_ =	sdelay $0x3  }
0x33: {  	p0 =	seq.s32 s10, $0x1;
	s10 =	sld [smem:$0x3FB4];
	_ =	sdelay $0x3  }
0x34: {  	[smem:$0x3FB4] =	sst s10  }
0x35: {  	s10 =	sld [smem:$0x3FB3];
	_ =	sdelay $0x3  }
0x36: {  	p1 =	seq.s32 s10, $0x1;
	s10 =	sld [smem:$0x3FB4];
	_ =	sdelay $0x3  }
0x37: {  	[smem:$0x3FB4] =	sst s10  }
0x38: {  	s10 =	sld [smem:$0x3FB5]  }
0x39: {  	_ = 	snop;
	(pc) =	sbr.ind lr, $3  }
0x3a: {  	_ = 	snop  }
0x3b: {  	_ = 	snop  }
0x3c: {  	p2 =	seq.s32 s10, $0x1;
	s10 =	sld [smem:$0x3FB4]  }
0x3d: {  	_ =	shalt  }
0x3e: {  	_ =	shalt  }
0x3f: {  	_ =	shalt  }
0x40: {  	_ =	shalt  }
0x41: {  	_ =	shalt  }
0x42: {  	_ =	shalt  }
0x43: {  	_ =	shalt  }
0x44: {  	_ =	shalt  }
0x45: {  	_ =	shalt  }
0x46: {  	_ =	shalt  }
0x47: {  	_ =	shalt  }
0x48: {  	_ =	shalt  }
0x49: {  	_ =	shalt  }
0x4a: {  	_ =	shalt  }
0x4b: {  	_ =	shalt  }
0x4c: {  	_ =	shalt  }
0x4d: {  	_ =	shalt  }
0x4e: {  	_ =	shalt  }
0x4f: {  	_ =	shalt  }
0x50: {  	_ =	shalt  }
0x51: {  	_ =	shalt  }
0x52: {  	_ =	shalt  }
0x53: {  	_ =	shalt  }
0x54: {  	_ =	shalt  }
0x55: {  	_ =	shalt  }
0x56: {  	_ =	shalt  }
0x57: {  	_ =	shalt  }
0x58: {  	_ =	shalt  }
0x59: {  	_ =	shalt  }
0x5a: {  	_ =	shalt  }
0x5b: {  	_ =	shalt  }
0x5c: {  	_ =	shalt  }
0x5d: {  	_ =	shalt  }
0x5e: {  	_ =	shalt  }
0x5f: {  	_ =	shalt  }
0x60: {  	_ =	shalt  }
0x61: {  	_ =	shalt  }
0x62: {  	_ =	shalt  }
0x63: {  	_ =	shalt  }
0x64: {  	_ =	shalt  }
0x65: {  	_ =	shalt  }
0x66: {  	_ =	shalt  }
0x67: {  	_ =	shalt  }
0x68: {  	_ =	shalt  }
0x69: {  	_ =	shalt  }
0x6a: {  	_ =	shalt  }
0x6b: {  	_ =	shalt  }
0x6c: {  	_ =	shalt  }
0x6d: {  	_ =	shalt  }
0x6e: {  	_ =	shalt  }
0x6f: {  	_ =	shalt  }
0x70: {  	_ =	shalt  }
0x71: {  	_ =	shalt  }
0x72: {  	_ =	shalt  }
0x73: {  	_ =	shalt  }
0x74: {  	_ =	shalt  }
0x75: {  	_ =	shalt  }
0x76: {  	_ =	shalt  }
0x77: {  	_ =	shalt  }
0x78: {  	_ =	shalt  }
0x79: {  	_ =	shalt  }
0x7a: {  	_ =	shalt  }
0x7b: {  	_ =	shalt  }
0x7c: {  	_ =	shalt  }
0x7d: {  	_ =	shalt  }
0x7e: {  	_ =	shalt  }
0x7f: {  	_ =	shalt  }
0x80: {  	_ =	shalt  }
0x81: {  	_ =	shalt  }
0x82: {  	_ =	shalt  }
0x83: {  	_ =	shalt  }
0x84: {  	_ =	shalt  }
0x85: {  	_ =	shalt  }
0x86: {  	_ =	shalt  }
0x87: {  	_ =	shalt  }
.Lfunc_end0:
.L_simem_size_0:
called_computation.3_lowered:
.L_overlay_start_0:
0x88: {  	s2 =	sld [smem:$0x3FD9]  }
0x89: {  	s3 =	sld [smem:$0x3FFE];
	_ =	sdelay $0x1  }
0x8a: {  	s1 =	srdreg.scid  }
0x8b: {  	s0 =	sand.u32 $0x1, s1  }
0x8c: {  	s16 =	sshll.u32 s0, $0xA;
	s2 =	sadd.s32 s3, s2  }
0x8d: {  	s2 =	sadd.s32 s2, s16  }
0x8e: {  	[smem:$0x3FC0] =	sst s2  }
0x8f: {  	_ = 	snop  }
0x90: {  	(tm) =	ssettm $0x1  }
0x91: {  	s17 =	sld [smem:$0x3FFB];
	_ =	sdelay $0x3  }
0x92: {  	_ =	strace s17  }
0x93: {  	s2 =	sld [smem:$0x3FFC];
	_ =	sdelay $0x3  }
0x94: {  	_ =	strace s2  }
0x95: {  	s2 =	sld [smem:$0x3FFD];
	_ =	sdelay $0x3  }
0x96: {  	_ =	strace s2  }
0x97: {  	_ =	strace $0x8FFFFFFF  }
0x98: {  	s18 =	sld [smem:$0x3FDB];
	_ =	sdelay $0x1  }
0x99: {  	s19 =	simm.s32 $_scs_section_size  }
0x9a: {  	s4 =	simm.s32 $_size__tile_overlayer_lowered;
	s5 =	simm.s32 $_tile_overlayer_lowered  }
0x9b: {  	s22 =	simm.s32 $0x1BFF;
	s21 =	sshll.u32 s5, $0x1;
	s2 =	sadd.s32 s19, s18  }
0x9c: {  	s6 =	simm.s32 $0x0;
	s20 =	sshll.u32 s4, $0x1;
	s4 =	sadd.s32 s21, s2  }
0x9d: {  	[timem:s6], [sflag:s22] =	dma.local [hbm:s4], s20  }
0x9e: {  	_ =	swait.ge [sflag:s22], s20  }
0x9f: {  	s3 =	ssub.s32 $0x0, s20;
	[sflag:s22] =	ssyncset.done $0x0  }
0xa0: {  	[sflag:s22] =	ssyncadd.s32 s3;
	_ =	sdelay $0x1  }
0xa1: {  	s23 =	simm.s32 $0x1B8B  }
0xa2: {  	_ =	swait.ge [sflag:s23], $0x1  }
0xa3: {  	[sflag:s23] =	ssyncset.done $0x0  }
0xa4: {  	s25 =	simm.s32 $0x1B8E;
	s24 =	sld [smem:$0x3FFE];
	[sflag:s23] =	ssyncadd.s32 $0xFFFFFFFF  }
0xa5: {  	s26 =	simm.s32 $execute0_lowered;
	[smem:$0x3FD2] =	sst s25  }
0xa6: {  	s4 =	sshll.u32 s26, $0x1;
	_ =	strace $0x8000004F;
	[dreg:$0x1] =	wrdreg $0xFFFFFFFF  }
0xa7: {  	s28 =	simm.s32 $_size_execute0_lowered;
	s2 =	sadd.s32 s2, s4;
	[dreg:$0x0] =	wrdreg $0x0  }
0xa8: {  	s4 =	sshll.u32 s28, $0x1;
	[dreg:$0x2] =	wrdreg s2  }
0xa9: {  	[dreg:$0x3] =	wrdreg s4  }
0xaa: {  	[dreg:$0x4] =	wrdreg $0xC0  }
0xab: {  	_ =	task [dreg:s6], $0x5FFFF  }
0xac: {  	[dreg:$0x1] =	wrdreg $0xFFFFFFFF  }
0xad: {  	[dreg:$0x0] =	wrdreg $0x60  }
0xae: {  	[dreg:$0x2] =	wrdreg s24  }
0xaf: {  	[dreg:$0x3] =	wrdreg $0x9  }
0xb0: {  	_ =	task.clear_ibuf [dreg:s6], $0x4FFFF;
	_ =	strace $0x9000004F  }
0xb1: {  	s29 =	simm.s32 $0x9;
	_ =	strace $0x80000051  }
0xb2: {  	_ =	swait.ge [sflag:s29], $0x1  }
0xb3: {  	[sflag:s29] =	ssyncadd.s32 $0xFFFFFFFF  }
0xb4: {  	_ =	strace $0x90000051  }
0xb5: {  	_ =	sfence  }
0xb6: {  	s30 =	sld [smem:$0x0];
	_ =	sdelay $0x2  }
0xb7: {  	s31 =	sshll.u32 s1, $0xD;
	s1 =	sshrl.u32 s1, $0x2  }
0xb8: {  	s3 =	sand.u32 $0x4000, s31;
	s1 =	sadd.s32 s1, s30  }
0xb9: {  	s0 =	sor.u32 s3, s0;
	s1 =	sshll.u32 s1, $0x11  }
0xba: {  	s0 =	sor.u32 s1, s0  }
0xbb: {  	s0 =	sadd.s32 $0x8F2B, s0  }
0xbc: {  	[sflag:s0] =	ssyncadd.remote.s32 $0x1  }
0xbd: {  	_ =	sfence.sel $0xFFFF  }
0xbe: {  	[dreg:$0x0] =	wrdreg $0xFFFFFFFF;
	(pc) =	sbr.abs _section_cstart, $3  }
0xbf: {  	[dreg:$0x1] =	wrdreg $0xFFFFFFFF  }
0xc0: {  	_ =	task.clear_ibuf [dreg:s6], $0x2FFFF;
	_ =	strace $0x9FFFFFFF  }
0xc1: {  	(tm) =	ssettm $0x7FFFFFFF  }
tec
execute0_lowered:
.L_overlay_start_1:
0x0: {  	(tag) =	ssettag $0x1  }
0x1: {  	s0 =	rddreg [dreg:$0x0];
	s2 =	simm.s32 $0x0;
	s3 =	srdreg.scid  }
0x2: {  	s1 =	stileid.u32;
	s11 =	simm.s32 $0x200;
	s12 =	simm.s32 $0xA00  }
0x3: {  	s13 =	simm.s32 $0x1200;
	s14 =	simm.s32 $0x1A00;
	s15 =	simm.s32 $0x2200  }
0x4: {  	s16 =	simm.s32 $0x2A00;
	s17 =	simm.s32 $0x3200;
	s18 =	simm.s32 $0x3A00  }
0x5: {  	s19 =	simm.s32 $0x4200;
	s20 =	simm.s32 $0x4A00;
	s21 =	simm.s32 $0x5200  }
0x6: {  	s22 =	simm.s32 $0x5A00;
	s23 =	simm.s32 $0x6200;
	s24 =	simm.s32 $0x6A00  }
0x7: {  	s25 =	simm.s32 $0x7200;
	s28 =	simm.s32 $0x1;
	s29 =	simm.s32 $0x2  }
0x8: {  	s30 =	simm.s32 $0x0;
	[smem:$0x7FF] =	sst s2;
	s7 =	sand.u32 $0x1, s3  }
0x9: {  	s4 =	sshll.u32 s1, $0x6;
	s3 =	sadd.s32 $0x2E00, s0;
	s6 =	sshll.u32 s1, $0xF  }
0xa: {  	_ =	strace $0x80000050;
	s5 =	sshll.u32 s7, $0x5;
	s26 =	ssub.s32 $0x2, s7  }
0xb: {  	s9 =	sadd.s32 s6, s0;
	s6 =	sadd.s32 $0x3000, s0;
	s10 =	sshll.u32 s7, $0xE  }
0xc: {  	v4 =	vlaneseq.u32;
	s7 =	sadd.s32 $0x3100, s0;
	s4 =	sor.u32 s5, s4;
	s8 =	sshrl.u32 s26, $0x1  }
0xd: {  	v0 =	vmul.u32 $0x2, v4;
	s5 =	sadd.s32 $0x2F00, s0;
	s31 =	sadd.s32 s10, s9;
	s10 =	simm.s32 $0x3  }
0xe: {  	vm0 =	vmmov $0xffff;
	v3 =	vshrl.u32 v4, $0x3;
	v2 =	vand.u32 $0x7, v4;
	s4 =	sadd.s32 s4, s0;
	s8 =	ssub.s32 s26, s8;
	s9 =	sadd.s32 $0x182E00, s31  }
0xf: {  	v4 =	vor.u32 $0x8, v4;
	v3 =	vmul.u32 $0x8, v3;
	v1 =	vor.u32 $0x1, v0;
	s26 =	simm.s32 $0x7A00;
	s4 =	sadd.s32 $0x2A00, s4;
	s8 =	smax.u32 s8, $0x1  }
.LBB2_1:
0x10: {  	[tilespmem:s2], [sflag:$0x3] =	stream.linear.gather [hbm4b:s4+s2], $0x100, $0x38;
	[tilespmem:$0x8200] =	vst v63  }
0x11: {  	_ =	swait.ge [sflag:s10], $0x100  }
0x12: {  	[sflag:s10] =	ssyncset.done $0x0  }
0x13: {  	s31 =	smov.u32 s9;
	s0 =	simm.s32 $0x0;
	[sflag:s10] =	ssyncadd.s32 $0xFFFFFF00  }
.LBB2_2:
0x14: {  	v5 =	vor.u32 s0, v0;
	_ =	sdelay $0x4  }
0x15: {  	v5 =	vld.idx.msk [tilespmem:v5+s2+$0x0], $0xffff;
	_ =	sdelay $0x4  }
0x16: {  	[tilespmem:$0x100] =	vst v5  }
0x17: {  	v5 =	vld [tilespmem:$0x100];
	_ =	sdelay $0x3  }
0x18: {  	v6 =	vor.u32 s0, v1  }
0x19: {  	v7 =	vshll.u32 v5, $0x3  }
0x1a: {  	v5 =	vand.u32 $0x7, v5;
	v7 =	vand.u32 $0xFFFFFFC0, v7  }
0x1b: {  	v5 =	vor.u32 v5, v7  }
0x1c: {  	v7 =	vperm.xlane v5, v2  }
0x1d: {  	v6 =	vld.idx.msk [tilespmem:v6+s2+$0x0], $0xffff  }
0x1e: {  	v7 =	vadd.s32 v3, v7;
	_ =	sdelay $0x3  }
0x1f: {  	[tilespmem:$0x180] =	vst v6  }
0x20: {  	[tilespmem:s11], [sflag:$0x1] =	stream.indirect_vreg.gather [hbm4b:s3+s2], $0x80, v7, vm0, $0xb8;
	[tilespmem:$0x8200] =	vst v63  }
0x21: {  	v5 =	vperm.xlane v5, v4  }
0x22: {  	[tilespmem:s12], [sflag:$0x1] =	stream.indirect_vreg.gather [hbm4b:s5+s2], $0x80, v7, vm0, $0xb8;
	[tilespmem:$0x8200] =	vst v63  }
0x23: {  	v5 =	vadd.s32 v3, v5  }
0x24: {  	[tilespmem:s13], [sflag:$0x1] =	stream.indirect_vreg.gather [hbm4b:s6+s2], $0x80, v7, vm0, $0xb8;
	[tilespmem:$0x8200] =	vst v63  }
0x25: {  	_ = 	snop  }
0x26: {  	[tilespmem:s14], [sflag:$0x1] =	stream.indirect_vreg.gather [hbm4b:s7+s2], $0x80, v7, vm0, $0xb8;
	[tilespmem:$0x8200] =	vst v63  }
0x27: {  	_ = 	snop  }
0x28: {  	[tilespmem:s15], [sflag:$0x1] =	stream.indirect_vreg.gather [hbm4b:s3+s2], $0x80, v5, vm0, $0xb8;
	[tilespmem:$0x8200] =	vst v63  }
0x29: {  	_ = 	snop  }
0x2a: {  	[tilespmem:s16], [sflag:$0x1] =	stream.indirect_vreg.gather [hbm4b:s5+s2], $0x80, v5, vm0, $0xb8;
	[tilespmem:$0x8200] =	vst v63  }
0x2b: {  	_ = 	snop  }
0x2c: {  	[tilespmem:s17], [sflag:$0x1] =	stream.indirect_vreg.gather [hbm4b:s6+s2], $0x80, v5, vm0, $0xb8;
	[tilespmem:$0x8200] =	vst v63  }
0x2d: {  	_ = 	snop  }
0x2e: {  	[tilespmem:s18], [sflag:$0x1] =	stream.indirect_vreg.gather [hbm4b:s7+s2], $0x80, v5, vm0, $0xb8;
	[tilespmem:$0x8200] =	vst v63  }
0x2f: {  	v5 =	vld [tilespmem:$0x180];
	_ =	sdelay $0x4  }
0x30: {  	v6 =	vshll.u32 v5, $0x3  }
0x31: {  	v5 =	vand.u32 $0x7, v5;
	v6 =	vand.u32 $0xFFFFFFC0, v6  }
0x32: {  	v5 =	vor.u32 v5, v6  }
0x33: {  	v6 =	vperm.xlane v5, v2;
	_ =	sdelay $0x1  }
0x34: {  	v6 =	vadd.s32 v3, v6;
	_ =	sdelay $0x4  }
0x35: {  	[tilespmem:s19], [sflag:$0x2] =	stream.indirect_vreg.gather [hbm4b:s3+s2], $0x80, v6, vm0, $0xb8;
	[tilespmem:$0x8200] =	vst v63  }
0x36: {  	v5 =	vperm.xlane v5, v4  }
0x37: {  	[tilespmem:s20], [sflag:$0x2] =	stream.indirect_vreg.gather [hbm4b:s5+s2], $0x80, v6, vm0, $0xb8;
	[tilespmem:$0x8200] =	vst v63  }
0x38: {  	v5 =	vadd.s32 v3, v5  }
0x39: {  	[tilespmem:s21], [sflag:$0x2] =	stream.indirect_vreg.gather [hbm4b:s6+s2], $0x80, v6, vm0, $0xb8;
	[tilespmem:$0x8200] =	vst v63  }
0x3a: {  	_ = 	snop  }
0x3b: {  	[tilespmem:s22], [sflag:$0x2] =	stream.indirect_vreg.gather [hbm4b:s7+s2], $0x80, v6, vm0, $0xb8;
	[tilespmem:$0x8200] =	vst v63  }
0x3c: {  	_ = 	snop  }
0x3d: {  	[tilespmem:s23], [sflag:$0x2] =	stream.indirect_vreg.gather [hbm4b:s3+s2], $0x80, v5, vm0, $0xb8;
	[tilespmem:$0x8200] =	vst v63  }
0x3e: {  	_ = 	snop  }
0x3f: {  	[tilespmem:s24], [sflag:$0x2] =	stream.indirect_vreg.gather [hbm4b:s5+s2], $0x80, v5, vm0, $0xb8;
	[tilespmem:$0x8200] =	vst v63  }
0x40: {  	_ = 	snop  }
0x41: {  	[tilespmem:s25], [sflag:$0x2] =	stream.indirect_vreg.gather [hbm4b:s6+s2], $0x80, v5, vm0, $0xb8;
	[tilespmem:$0x8200] =	vst v63  }
0x42: {  	_ = 	snop  }
0x43: {  	[tilespmem:s26], [sflag:$0x2] =	stream.indirect_vreg.gather [hbm4b:s7+s2], $0x80, v5, vm0, $0xb8;
	[tilespmem:$0x8200] =	vst v63  }
0x44: {  	_ =	swait.ge [sflag:s28], $0x4000  }
0x45: {  	[sflag:s28] =	ssyncset.done $0x0  }
0x46: {  	s1 =	sadd.s32 $0xFFF80000, s31;
	[sflag:s28] =	ssyncadd.s32 $0xFFFFC000  }
0x47: {  	[hbm4b:s1+s2] =	stream.linear.scatter [tilespmem:s11], [sflag:$0x3], $0x4000, $0x38;
	[tilespmem:$0x8200] =	vst v63  }
0x48: {  	_ =	swait.ge [sflag:s10], $0x4000  }
0x49: {  	[sflag:s10] =	ssyncset.done $0x0  }
0x4a: {  	[sflag:s10] =	ssyncadd.s32 $0xFFFFC000  }
0x4b: {  	_ =	swait.ge [sflag:s29], $0x4000  }
0x4c: {  	p0 =	sne.s32 s0, $0xE0;
	[sflag:s29] =	ssyncset.done $0x0  }
.Ltmp0:
0x4d: {  	[sflag:s29] =	ssyncadd.s32 $0xFFFFC000;
	(pc) =	sbr.rel @p0 .LBB2_2-.Ltmp0, $4  }
0x4e: {  	[hbm4b:s31+s2] =	stream.linear.scatter [tilespmem:s19], [sflag:$0x3], $0x4000, $0x38;
	[tilespmem:$0x8200] =	vst v63  }
0x4f: {  	_ =	swait.ge [sflag:s10], $0x4000  }
0x50: {  	[sflag:s10] =	ssyncset.done $0x0  }
0x51: {  	s0 =	sadd.s32 $0x20, s0;
	s31 =	sadd.s32 $0x800, s31;
	[sflag:s10] =	ssyncadd.s32 $0xFFFFC000  }
0x52: {  	s30 =	sadd.s32 $0x1, s30  }
0x53: {  	p0 =	sne.s32 s30, s8  }
.Ltmp1:
0x54: {  	_ = 	snop;
	(pc) =	sbr.rel @p0 .LBB2_1-.Ltmp1, $1  }
0x55: {  	_ =	sdelay $0x3  }
0x56: {  	_ =	sfence.sel $0x180000  }
0x57: {  	[bflag:$0x0] =	sbarrier.arrive $0xFFFF  }
0x58: {  	_ =	strace $0x90000050  }
0x59: {  	s0 =	stileid.u32;
	[bflag:$0x2] =	sbarrier.arrive $0xFFFF  }
0x5a: {  	p0 =	sne.s32 s0, $0x0;
	s0 =	rddreg [dreg:$0x1]  }
0x5b: {  	s0 =	sadd.s32 @!p0 $0x100000, s0  }
0x5c: {  	[sflag:s0] =	ssyncadd.tile.s32 @!p0 $0x1;
	_ =	shalt  }
.Lfunc_end2:
_tile_overlayer_lowered:
.L_overlay_start_2:
0x5d: {  	(tag) =	ssettag $0x2  }
0x5e: {  	s0 =	rddreg [dreg:$0x0];
	s2 =	stileid.u32  }
0x5f: {  	s1 =	rddreg [dreg:$0x1];
	p0 =	sne.s32 s2, $0x0  }
0x60: {  	s3 =	rddreg [dreg:$0x2];
	[bflag:$0x3] =	sbarrier.arrive $0xFFFF;
	s2 =	simm.s32 @!p0 $0x1C03  }
0x61: {  	[timem:s3], [sflag:s2] =	dma.local @!p0 [hbm:s0], s1  }
0x62: {  	s0 =	simm.s32 @!p0 $0x3  }
0x63: {  	_ =	swait.ge @!p0 [sflag:s0], s1  }
0x64: {  	s1 =	ssub.s32 @!p0 $0x0, s1;
	[sflag:s0] =	ssyncset.done @!p0 $0x0  }
0x65: {  	[sflag:s0] =	ssyncadd.s32 @!p0 s1  }
0x66: {  	[bflag:$0x3] =	sbarrier.arrive $0xFFFF  }
0x67: {  	_ =	shalt  }

// kernel: kernel.8.cloned.1.call-start
scs
__scs_entry_jumppad:
0x0: {  	(pc) =	sbr.rel $0x88, $3  }
0x1: {  	(tag) =	ssettag $0x0;
	lr =	simm.s32 $0x1  }
0x2: {  	[smem:$0x3F99] =	sst lr;
	_ =	strace $0xD0000000  }
0x3: {  	_ = 	snop  }
0x4: {  	_ = 	snop  }
0x5: {  	_ = 	snop  }
0x6: {  	_ = 	snop  }
0x7: {  	_ = 	snop  }
__scs_overlays_trampoline_lowered:
0x8: {  	[smem:$0x3FA8] =	sst s0  }
0x9: {  	[smem:$0x3FA9] =	sst s1  }
0xa: {  	[smem:$0x3FAA] =	sst s2  }
0xb: {  	[smem:$0x3FAB] =	sst s3  }
0xc: {  	[smem:$0x3FAC] =	sst s4  }
0xd: {  	[smem:$0x3FAD] =	sst s5  }
0xe: {  	[smem:$0x3FAE] =	sst s6  }
0xf: {  	[smem:$0x3FAF] =	sst s7  }
0x10: {  	[smem:$0x3FB0] =	sst s8  }
0x11: {  	[smem:$0x3FB1] =	sst s9;
	s0 =	simm.s32 @!p0 $0x0  }
0x12: {  	s1 =	sld [smem:$0x3F97];
	s0 =	simm.s32 @p0 $0x1  }
0x13: {  	[smem:$0x3FB2] =	sst s0;
	s0 =	simm.s32 @!p1 $0x0  }
0x14: {  	s2 =	sld [smem:$0x3F96];
	s0 =	simm.s32 @p1 $0x1  }
0x15: {  	[smem:$0x3FB3] =	sst s0;
	s0 =	simm.s32 @!p2 $0x0  }
0x16: {  	s3 =	sld [smem:$0x3FDB];
	s0 =	simm.s32 @p2 $0x1  }
0x17: {  	s4 =	simm.s32 $0x1BF5;
	[smem:$0x3FB5] =	sst s0  }
0x18: {  	s0 =	sld [smem:$0x3F98];
	_ =	swait.ge [sflag:s4], $0x0  }
0x19: {  	s7 =	sld [smem:$0x3F99]  }
0x1a: {  	s8 =	sadd.s32 $0xFFFFE003, lr  }
0x1b: {  	s9 =	sadd.s32 $0xFFFFFEF7, lr;
	s5 =	simm.s32 $0xFFFFFFFF;
	p2 =	slt.u32 s8, $0xFFFFF086  }
0x1c: {  	p1 =	slt.u32 s9, $0xF7A;
	s5 =	simm.s32 @!p2 $0x0  }
0x1d: {  	s5 =	simm.s32 @p1 $0x1;
	p0 =	seq.s32 s7, s2  }
0x1e: {  	s7 =	smul.u32 @!p0 $0xF7A, s2;
	p2 =	seq.s32 @!p0 s5, $0x0  }
0x1f: {  	s9 =	smul.u32 $0xF7A, s1;
	s8 =	simm.s32 @!p0 $0x1BF5;
	p2 =	por !p2, p0  }
0x20: {  	[sflag:s8] =	ssyncset.s32 @!p0 $0xFFFFF086;
	s6 =	sadd.s32 @!p0 s3, s7;
	s7 =	simm.s32 @!p0 $0x108  }
0x21: {  	s3 =	sadd.s32 s3, s9;
	s6 =	sadd.s32 @!p0 $0x88, s6;
	s7 =	simm.s32 @p2 $0x1082  }
0x22: {  	[simem:s7], [sflag:s8] =	dma.local @!p0 [hbm:s6], $0xF7A  }
0x23: {  	s9 =	sor.u32 $0xD0000000, s2;
	s6 =	simm.s32 $0x108;
	_ =	swait.ge @!p0 [sflag:s8], $0x0  }
0x24: {  	s3 =	sadd.s32 $0x88, s3;
	s6 =	simm.s32 @!p1 $0x1082;
	[sflag:s4] =	ssyncset.s32 $0xFFFFF086  }
0x25: {  	[simem:s6], [sflag:s4] =	dma.local [hbm:s3], $0xF7A  }
0x26: {  	[smem:$0x3F99] =	sst s1;
	(tag) =	ssettag s2;
	_ =	strace s9  }
0x27: {  	s1 =	sld [smem:$0x3FA9]  }
0x28: {  	s2 =	sld [smem:$0x3FAA]  }
0x29: {  	s4 =	sld [smem:$0x3FAC]  }
0x2a: {  	p0 =	seq.s32 s5, $0x0;
	s5 =	sld [smem:$0x3FAD]  }
0x2b: {  	s6 =	sld [smem:$0x3FAE]  }
0x2c: {  	s7 =	sld [smem:$0x3FAF]  }
0x2d: {  	s3 =	simm.s32 $0x108;
	s8 =	sld [smem:$0x3FB0]  }
0x2e: {  	s3 =	simm.s32 @!p0 $0x1082;
	s9 =	sld [smem:$0x3FB1]  }
0x2f: {  	lr =	sadd.s32 s0, s3;
	s0 =	sld [smem:$0x3FA8]  }
0x30: {  	s3 =	sld [smem:$0x3FAB]  }
0x31: {  	[smem:$0x3FB4] =	sst s10  }
0x32: {  	s10 =	sld [smem:$0x3FB2];
	_ =	sdelay $0x3  }
0x33: {  	p0 =	seq.s32 s10, $0x1;
	s10 =	sld [smem:$0x3FB4];
	_ =	sdelay $0x3  }
0x34: {  	[smem:$0x3FB4] =	sst s10  }
0x35: {  	s10 =	sld [smem:$0x3FB3];
	_ =	sdelay $0x3  }
0x36: {  	p1 =	seq.s32 s10, $0x1;
	s10 =	sld [smem:$0x3FB4];
	_ =	sdelay $0x3  }
0x37: {  	[smem:$0x3FB4] =	sst s10  }
0x38: {  	s10 =	sld [smem:$0x3FB5]  }
0x39: {  	_ = 	snop;
	(pc) =	sbr.ind lr, $3  }
0x3a: {  	_ = 	snop  }
0x3b: {  	_ = 	snop  }
0x3c: {  	p2 =	seq.s32 s10, $0x1;
	s10 =	sld [smem:$0x3FB4]  }
0x3d: {  	_ =	shalt  }
0x3e: {  	_ =	shalt  }
0x3f: {  	_ =	shalt  }
0x40: {  	_ =	shalt  }
0x41: {  	_ =	shalt  }
0x42: {  	_ =	shalt  }
0x43: {  	_ =	shalt  }
0x44: {  	_ =	shalt  }
0x45: {  	_ =	shalt  }
0x46: {  	_ =	shalt  }
0x47: {  	_ =	shalt  }
0x48: {  	_ =	shalt  }
0x49: {  	_ =	shalt  }
0x4a: {  	_ =	shalt  }
0x4b: {  	_ =	shalt  }
0x4c: {  	_ =	shalt  }
0x4d: {  	_ =	shalt  }
0x4e: {  	_ =	shalt  }
0x4f: {  	_ =	shalt  }
0x50: {  	_ =	shalt  }
0x51: {  	_ =	shalt  }
0x52: {  	_ =	shalt  }
0x53: {  	_ =	shalt  }
0x54: {  	_ =	shalt  }
0x55: {  	_ =	shalt  }
0x56: {  	_ =	shalt  }
0x57: {  	_ =	shalt  }
0x58: {  	_ =	shalt  }
0x59: {  	_ =	shalt  }
0x5a: {  	_ =	shalt  }
0x5b: {  	_ =	shalt  }
0x5c: {  	_ =	shalt  }
0x5d: {  	_ =	shalt  }
0x5e: {  	_ =	shalt  }
0x5f: {  	_ =	shalt  }
0x60: {  	_ =	shalt  }
0x61: {  	_ =	shalt  }
0x62: {  	_ =	shalt  }
0x63: {  	_ =	shalt  }
0x64: {  	_ =	shalt  }
0x65: {  	_ =	shalt  }
0x66: {  	_ =	shalt  }
0x67: {  	_ =	shalt  }
0x68: {  	_ =	shalt  }
0x69: {  	_ =	shalt  }
0x6a: {  	_ =	shalt  }
0x6b: {  	_ =	shalt  }
0x6c: {  	_ =	shalt  }
0x6d: {  	_ =	shalt  }
0x6e: {  	_ =	shalt  }
0x6f: {  	_ =	shalt  }
0x70: {  	_ =	shalt  }
0x71: {  	_ =	shalt  }
0x72: {  	_ =	shalt  }
0x73: {  	_ =	shalt  }
0x74: {  	_ =	shalt  }
0x75: {  	_ =	shalt  }
0x76: {  	_ =	shalt  }
0x77: {  	_ =	shalt  }
0x78: {  	_ =	shalt  }
0x79: {  	_ =	shalt  }
0x7a: {  	_ =	shalt  }
0x7b: {  	_ =	shalt  }
0x7c: {  	_ =	shalt  }
0x7d: {  	_ =	shalt  }
0x7e: {  	_ =	shalt  }
0x7f: {  	_ =	shalt  }
0x80: {  	_ =	shalt  }
0x81: {  	_ =	shalt  }
0x82: {  	_ =	shalt  }
0x83: {  	_ =	shalt  }
0x84: {  	_ =	shalt  }
0x85: {  	_ =	shalt  }
0x86: {  	_ =	shalt  }
0x87: {  	_ =	shalt  }
.Lfunc_end0:
.L_simem_size_0:
called_computation_lowered:
.L_overlay_start_0:
0x88: {  	s2 =	sld [smem:$0x3FD9]  }
0x89: {  	s3 =	sld [smem:$0x3FFE];
	_ =	sdelay $0x1  }
0x8a: {  	s1 =	srdreg.scid  }
0x8b: {  	s0 =	sand.u32 $0x1, s1  }
0x8c: {  	s17 =	sshll.u32 s0, $0xA;
	s2 =	sadd.s32 s3, s2  }
0x8d: {  	s2 =	sadd.s32 s2, s17  }
0x8e: {  	[smem:$0x3FC0] =	sst s2  }
0x8f: {  	_ = 	snop  }
0x90: {  	s2 =	sld [smem:$0x3FC8];
	(tm) =	ssettm $0x1  }
0x91: {  	s18 =	sld [smem:$0x3FFB];
	_ =	sdelay $0x3  }
0x92: {  	_ =	strace s18  }
0x93: {  	s3 =	sld [smem:$0x3FFC];
	_ =	sdelay $0x3  }
0x94: {  	_ =	strace s3  }
0x95: {  	s3 =	sld [smem:$0x3FFD];
	_ =	sdelay $0x3  }
0x96: {  	_ =	strace s3  }
0x97: {  	_ =	strace $0x8FFFFFFF  }
0x98: {  	s19 =	sld [smem:$0x3FDB];
	_ =	sdelay $0x1  }
0x99: {  	s4 =	simm.s32 $_scs_section_size  }
0x9a: {  	s5 =	simm.s32 $_size__tile_overlayer_lowered;
	s6 =	simm.s32 $_tile_overlayer_lowered  }
0x9b: {  	s22 =	simm.s32 $0x1BFF;
	s21 =	sshll.u32 s6, $0x1;
	s3 =	sadd.s32 s4, s19  }
0x9c: {  	s7 =	simm.s32 $0x0;
	s20 =	sshll.u32 s5, $0x1;
	s5 =	sadd.s32 s21, s3  }
0x9d: {  	[timem:s7], [sflag:s22] =	dma.local [hbm:s5], s20  }
0x9e: {  	_ =	swait.ge [sflag:s22], s20  }
0x9f: {  	s4 =	ssub.s32 $0x0, s20;
	[sflag:s22] =	ssyncset.done $0x0  }
0xa0: {  	[sflag:s22] =	ssyncadd.s32 s4;
	_ =	sdelay $0x1  }
0xa1: {  	s23 =	simm.s32 $0x1B8B  }
0xa2: {  	_ =	swait.ge [sflag:s23], $0x1  }
0xa3: {  	[sflag:s23] =	ssyncset.done $0x0  }
0xa4: {  	s25 =	simm.s32 $0x1B8E;
	s24 =	sld [smem:$0x3FFE];
	[sflag:s23] =	ssyncadd.s32 $0xFFFFFFFF  }
0xa5: {  	s26 =	simm.s32 $execute0_lowered;
	[smem:$0x3FD2] =	sst s25  }
0xa6: {  	s5 =	sshll.u32 s26, $0x1;
	_ =	strace $0x80000046;
	[dreg:$0x1] =	wrdreg $0xFFFFFFFF  }
0xa7: {  	s28 =	simm.s32 $_size_execute0_lowered;
	s3 =	sadd.s32 s3, s5;
	[dreg:$0x0] =	wrdreg $0x0  }
0xa8: {  	s5 =	sshll.u32 s28, $0x1;
	[dreg:$0x2] =	wrdreg s3  }
0xa9: {  	[dreg:$0x3] =	wrdreg s5  }
0xaa: {  	[dreg:$0x4] =	wrdreg $0xC0  }
0xab: {  	_ =	task [dreg:s7], $0x5FFFF  }
0xac: {  	[dreg:$0x1] =	wrdreg $0xFFFFFFFF  }
0xad: {  	[dreg:$0x0] =	wrdreg $0x60  }
0xae: {  	[dreg:$0x2] =	wrdreg s2  }
0xaf: {  	[dreg:$0x3] =	wrdreg s24  }
0xb0: {  	[dreg:$0x4] =	wrdreg $0x9  }
0xb1: {  	_ =	task.clear_ibuf [dreg:s7], $0x5FFFF;
	_ =	strace $0x90000046  }
0xb2: {  	s29 =	simm.s32 $0x9;
	_ =	strace $0x80000048  }
0xb3: {  	_ =	swait.ge [sflag:s29], $0x1  }
0xb4: {  	[sflag:s29] =	ssyncadd.s32 $0xFFFFFFFF  }
0xb5: {  	_ =	strace $0x90000048  }
0xb6: {  	_ =	sfence  }
0xb7: {  	s30 =	sld [smem:$0x0];
	_ =	sdelay $0x2  }
0xb8: {  	s31 =	sshll.u32 s1, $0xD;
	s1 =	sshrl.u32 s1, $0x2  }
0xb9: {  	s3 =	sand.u32 $0x4000, s31;
	s1 =	sadd.s32 s1, s30  }
0xba: {  	s0 =	sor.u32 s3, s0;
	s1 =	sshll.u32 s1, $0x11  }
0xbb: {  	s0 =	sor.u32 s1, s0  }
0xbc: {  	s0 =	sadd.s32 $0x8F2B, s0  }
0xbd: {  	[sflag:s0] =	ssyncadd.remote.s32 $0x1  }
0xbe: {  	_ =	sfence.sel $0xFFFF  }
0xbf: {  	[dreg:$0x0] =	wrdreg $0xFFFFFFFF;
	(pc) =	sbr.abs _section_cstart, $3  }
0xc0: {  	[dreg:$0x1] =	wrdreg $0xFFFFFFFF  }
0xc1: {  	_ =	task.clear_ibuf [dreg:s7], $0x2FFFF;
	_ =	strace $0x9FFFFFFF  }
0xc2: {  	(tm) =	ssettm $0x7FFFFFFF  }
0xc3: {  	_ =	shalt  }
tec
execute0_lowered:
.L_overlay_start_1:
0x0: {  	(tag) =	ssettag $0x1  }
0x1: {  	s3 =	rddreg [dreg:$0x0]  }
0x2: {  	s4 =	rddreg [dreg:$0x1]  }
0x3: {  	s0 =	rddreg [dreg:$0x2]  }
0x4: {  	s2 =	simm.s32 $0x0;
	s5 =	srdreg.scid;
	s1 =	stileid.u32  }
0x5: {  	[smem:$0x7FF] =	sst s2;
	s9 =	sand.u32 $0x1, s5;
	s30 =	sshll.u32 s1, $0x6  }
0x6: {  	s6 =	sshll.u32 s1, $0x4;
	_ =	strace $0x80000047;
	s7 =	ssub.s32 $0x2, s9  }
0x7: {  	s8 =	sadd.s32 s30, s4;
	s6 =	sadd.s32 s6, s4;
	s3 =	sadd.s32 s3, s30  }
0x8: {  	v0 =	vimm.s32 $0x0;
	p0 =	sne.s32 s9, $0x0;
	s9 =	simm.s32 $0x0;
	s31 =	sshrl.u32 s7, $0x1  }
0x9: {  	vm0 =	vmmov $0x1;
	vm3 =	vcmask $0xB20;
	vm4 =	vcmask $0xF20;
	s4 =	sadd.s32 $0x1E00, s8;
	s5 =	sadd.s32 $0x2200, s6;
	s7 =	ssub.s32 s7, s31  }
0xa: {  	vm5 =	vcmask $0x1320;
	vm6 =	vcmask $0x1720;
	vm7 =	vcmask $0x1B20;
	s8 =	simm.s32 $0x400;
	s6 =	smax.u32 s7, $0x1;
	s7 =	simm.s32 $0x1  }
.LBB2_1:
0xb: {  	[tilespmem:s2], [sflag:$0x1] =	stream.linear.gather [hbm4b:s3+s2], $0x200, $0x38;
	[tilespmem:$0x500] =	vst v63  }
0xc: {  	_ =	swait.ge [sflag:s7], $0x200  }
0xd: {  	[sflag:s7] =	ssyncset.done $0x0  }
0xe: {  	s10 =	simm.s32 $0x0;
	[sflag:s7] =	ssyncadd.s32 $0xFFFFFE00  }
0xf: {  	v4 =	vld [tilespmem:s10+$0x0];
	_ =	sdelay $0x4  }
0x10: {  	vm1 =	veq.s32 v4, $0x3  }
0x11: {  	vm8 =	veq.s32 v4, $0x6;
	v1 =	vsel vm1, $0x1, v0  }
0x12: {  	vm2 =	veq.s32 v4, $0x0;
	v2 =	vsel vm8, $0x1, v0;
	(xrf0) =	vadd.scan.msk.s32 $0xffff, v1  }
0x13: {  	vm13 =	veq.s32 v4, $0x1;
	v1 =	vsel vm2, $0x1, v0;
	(xrf0) =	vadd.scan.msk.s32 $0xffff, v2  }
0x14: {  	v2 =	vsel vm13, $0x1, v0;
	(xrf0) =	vadd.scan.msk.s32 $0xffff, v1  }
0x15: {  	vm12 =	veq.s32 v4, $0x2;
	(xrf0) =	vadd.scan.msk.s32 $0xffff, v2  }
0x16: {  	v1 =	vsel vm12, $0x1, v0  }
0x17: {  	(xrf0) =	vadd.scan.msk.s32 $0xffff, v1  }
0x18: {  	vm10 =	veq.s32 v4, $0x4;
	vm11 =	veq.s32 v4, $0x5;
	vm9 =	veq.s32 v4, $0x7;
	v5, _, _ =	vpop (xrf0)  }
0x19: {  	s11 =	simm.s32 $0x10;
	[tilespmem:$0x400] =	vst v0;
	vm1 =	vmmov vm1;
	vm8 =	vmmov vm8;
	v1 =	vsel vm10, $0x1, v0;
	v2, _, _ =	vpop (xrf0)  }
0x1a: {  	v6 =	vsel vm11, $0x1, v0;
	v11 =	vsel vm9, $0x1, v0;
	(xrf0) =	vadd.scan.msk.s32 $0xffff, v1;
	v1 =	vld [tilespmem:s11+$0x0];
	v10 =	vbroadcast v5, $0xF;
	v7, _, _ =	vpop (xrf0)  }
0x1b: {  	v3 =	vadd.s32 $0xFFFFFFFF, v2;
	v2 =	vbroadcast v2, $0xF;
	v8 =	vbroadcast v7, $0xF;
	v9, _, _ =	vpop (xrf0)  }
0x1c: {  	(xrf0) =	vadd.scan.msk.s32 $0xffff, v6;
	v6 =	vadd.s32 $0xFFFFFFFF, v7;
	v12 =	vbroadcast v9, $0xF;
	v9 =	vadd.s32 $0xFFFFFFFF, v9  }
0x1d: {  	v13, _, _ =	vpop (xrf0);
	v6 =	vnsel vm2, $0x0, v6;
	vm2 =	vcmask $0x320;
	v7 =	vnsel vm0, $0x0, v8  }
0x1e: {  	(xrf0) =	vadd.scan.msk.s32 $0xffff, v11;
	v8 =	vbroadcast v13, $0xF;
	v6 =	vsel vm13, v9, v6;
	v9 =	vadd.s32 $0xFFFFFFFF, v13  }
0x1f: {  	vm15 =	veq.s32 v1, $0x6;
	vm13 =	veq.s32 v1, $0x1;
	vm14 =	veq.s32 v1, $0x2  }
0x20: {  	v7 =	vsel vm2, v7, v12;
	vm2 =	vcmask $0x720;
	v11 =	vsel vm12, v9, v6  }
0x21: {  	v12 =	vadd.s32 $0xFFFFFFFF, v5;
	vm12 =	veq.s32 v1, $0x0;
	v7 =	vsel vm2, v7, v8  }
0x22: {  	v13 =	vsel vm15, $0x1, v0;
	vm2 =	veq.s32 v1, $0x3;
	v5 =	vsel vm3, v7, v10;
	v8, _, _ =	vpop (xrf0)  }
0x23: {  	v6 =	vadd.s32 $0xFFFFFFFF, v8;
	v7 =	vbroadcast v8, $0xF;
	v10, _, _ =	vpop (xrf0);
	v8 =	vsel vm2, $0x1, v0  }
0x24: {  	v14 =	vsel vm12, $0x1, v0;
	v12 =	vsel vm1, v12, v11;
	v15, _, _ =	vpop (xrf0);
	(xrf0) =	vadd.scan.msk.s32 $0xffff, v8;
	v9 =	vadd.s32 $0xFFFFFFFF, v10  }
0x25: {  	v10 =	vbroadcast v10, $0xF;
	v8 =	vsel vm4, v5, v7;
	(xrf0) =	vadd.scan.msk.s32 $0xffff, v13;
	v7 =	vbroadcast v15, $0xF  }
0x26: {  	s12 =	simm.s32 $0x80;
	v13 =	vsel vm13, $0x1, v0;
	v5 =	vld.idx.msk [tilespmem:v4+s8+$0x0], $0xffff;
	v11 =	vadd.s32 $0xFFFFFFFF, v15;
	v4 =	vimm.s32 $0x0;
	(xrf0) =	vadd.scan.msk.s32 $0xffff, v14  }
.LBB2_2:
0x27: {  	v14 =	vsel vm14, $0x1, v0;
	v6 =	vsel vm10, v6, v12  }
0x28: {  	v8 =	vsel vm5, v8, v10;
	vm1 =	vmmov vm2;
	vm2 =	vmmov vm8  }
0x29: {  	s13 =	sshra.s32 s12, $0x2;
	p1 =	sne.s32 s12, $0x7C0;
	s12 =	sadd.s32 $0x40, s12;
	(xrf0) =	vadd.scan.msk.s32 $0xffff, v13;
	vm8 =	vmmov vm15;
	vm10 =	veq.s32 v1, $0x4;
	v9 =	vsel vm11, v9, v6  }
0x2a: {  	(xrf0) =	vadd.scan.msk.s32 $0xffff, v14;
	v2 =	vsel vm6, v8, v2;
	v8 =	vsel vm10, $0x1, v0;
	vm11 =	veq.s32 v1, $0x5  }
0x2b: {  	v3 =	vsel vm2, v3, v9;
	v9 =	vsel vm7, v2, v7;
	v7 =	vsel vm11, $0x1, v0  }
0x2c: {  	v6, _, _ =	vpop (xrf0);
	(xrf0) =	vadd.scan.msk.s32 $0xffff, v8;
	v3 =	vsel vm9, v11, v3;
	v4 =	vadd.s32 v4, v9;
	vm9 =	veq.s32 v1, $0x7  }
0x2d: {  	vm2 =	vcmask $0x320;
	v2, _, _ =	vpop (xrf0);
	v5 =	vadd.s32 v5, v3;
	v9 =	vsel vm9, $0x1, v0  }
0x2e: {  	v3 =	vadd.s32 $0xFFFFFFFF, v2;
	v2 =	vbroadcast v2, $0xF;
	v8, _, _ =	vpop (xrf0);
	(xrf0) =	vadd.scan.msk.s32 $0xffff, v7;
	[tilespmem:s10+$0x200] =	vst v5;
	s10 =	smov.u32 s11;
	s11 =	smov.u32 s13  }
0x2f: {  	v7 =	vbroadcast v6, $0xF;
	[tilespmem:$0x400] =	vst v4;
	v5 =	vbroadcast v8, $0xF;
	v10, _, _ =	vpop (xrf0);
	v8 =	vadd.s32 $0xFFFFFFFF, v8  }
0x30: {  	v11 =	vld [tilespmem:s11+$0x0];
	v14 =	vadd.s32 $0xFFFFFFFF, v10;
	v10 =	vbroadcast v10, $0xF;
	v13, _, _ =	vpop (xrf0);
	(xrf0) =	vadd.scan.msk.s32 $0xffff, v9;
	v8 =	vnsel vm12, $0x0, v8  }
0x31: {  	v5 =	vnsel vm0, $0x0, v5;
	v9 =	vbroadcast v13, $0xF;
	v8 =	vsel vm13, v14, v8  }
0x32: {  	v13 =	vadd.s32 $0xFFFFFFFF, v13;
	v5 =	vsel vm2, v5, v10;
	v12, _, _ =	vpop (xrf0);
	vm2 =	vcmask $0x720  }
0x33: {  	v15 =	vadd.s32 $0xFFFFFFFF, v6;
	v14 =	vsel vm14, v13, v8;
	v5 =	vsel vm2, v5, v9  }
0x34: {  	v6 =	vadd.s32 $0xFFFFFFFF, v12;
	v8 =	vbroadcast v12, $0xF;
	v7 =	vsel vm3, v5, v7;
	v10, _, _ =	vpop (xrf0)  }
.Ltmp0:
0x35: {  	vm12 =	veq.s32 v11, $0x0;
	vm2 =	veq.s32 v11, $0x3;
	vm15 =	veq.s32 v11, $0x6;
	(pc) =	sbr.rel @p1 .LBB2_2-.Ltmp0, $4  }
0x36: {  	v12 =	vsel vm12, $0x1, v0;
	v5 =	vsel vm2, $0x1, v0;
	v13 =	vsel vm15, $0x1, v0;
	v16, _, _ =	vpop (xrf0)  }
0x37: {  	vm13 =	veq.s32 v11, $0x1;
	v8 =	vsel vm4, v7, v8;
	v9 =	vadd.s32 $0xFFFFFFFF, v10;
	(xrf0) =	vadd.scan.msk.s32 $0xffff, v5;
	v5 =	vld.idx.msk [tilespmem:v1+s8+$0x0], $0xffff;
	v1 =	vmovc v11  }
0x38: {  	v10 =	vbroadcast v10, $0xF;
	v7 =	vbroadcast v16, $0xF;
	vm14 =	veq.s32 v1, $0x2;
	(xrf0) =	vadd.scan.msk.s32 $0xffff, v13  }
0x39: {  	v11 =	vadd.s32 $0xFFFFFFFF, v16;
	v13 =	vsel vm13, $0x1, v0;
	(xrf0) =	vadd.scan.msk.s32 $0xffff, v12;
	v12 =	vsel vm1, v15, v14  }
0x3a: {  	v14 =	vsel vm14, $0x1, v0;
	(xrf0) =	vadd.scan.msk.s32 $0xffff, v13  }
0x3b: {  	vm1 =	veq.s32 v1, $0x4;
	(xrf0) =	vadd.scan.msk.s32 $0xffff, v14  }
0x3c: {  	v36 =	vimm.s32 $0x0;
	v37 =	vsel vm1, $0x1, v0  }
0x3d: {  	v15 =	vimm.s32 $0x0;
	v13 =	vsel vm1, $0xFFFFFFFF, v36;
	v38, _, _ =	vpop (xrf0);
	(xrf0) =	vadd.scan.msk.s32 $0xffff, v37  }
0x3e: {  	v6 =	vsel vm10, v6, v12;
	vm2 =	vmmov vm2;
	vm8 =	vmmov vm8;
	[tilespmem:$0x1FFE0] =	vst v13;
	v39, _, _ =	vpop (xrf0)  }
0x3f: {  	v8 =	vsel vm5, v8, v10;
	vm1 =	veq.s32 v1, $0x5;
	v6 =	vsel vm11, v9, v6;
	v49 =	vld [tilespmem:$0x1FFE0];
	v16, _, _ =	vpop (xrf0)  }
0x40: {  	v2 =	vsel vm6, v8, v2;
	v15 =	vsel vm1, $0xFFFFFFFF, v15;
	v41, _, _ =	vpop (xrf0);
	v17 =	vadd.s32 $0xFFFFFFFF, v16  }
0x41: {  	v40 =	vsel vm1, $0x1, v0;
	v17 =	vnsel vm12, $0x0, v17;
	v18 =	vadd.s32 $0xFFFFFFFF, v41;
	v19, _, _ =	vpop (xrf0)  }
0x42: {  	v3 =	vsel vm8, v3, v6;
	v42 =	vsel vm13, v18, v17;
	v43 =	vadd.s32 $0xFFFFFFFF, v19  }
0x43: {  	v2 =	vsel vm7, v2, v7;
	[tilespmem:$0x1FFF0] =	vst v15;
	v46 =	vadd.s32 $0xFFFFFFFF, v38;
	v44 =	vsel vm14, v43, v42;
	v45, _, _ =	vpop (xrf0)  }
0x44: {  	(xrf0) =	vadd.scan.msk.s32 $0xffff, v40;
	vm1 =	vnez.u8 v49;
	v47 =	vsel vm2, v46, v44;
	v48 =	vadd.s32 $0xFFFFFFFF, v45  }
0x45: {  	vm8 =	vcmask $0x320;
	v53 =	vld [tilespmem:$0x1FFF0];
	v6 =	vsel vm1, v48, v47;
	vm1 =	veq.s32 v1, $0x7  }
0x46: {  	v3 =	vsel vm9, v11, v3;
	v54 =	vbroadcast v16, $0xF;
	v51 =	vsel vm1, $0x1, v0  }
0x47: {  	v2 =	vadd.s32 v4, v2;
	v3 =	vadd.s32 v5, v3;
	v55 =	vbroadcast v41, $0xF;
	(xrf0) =	vadd.scan.msk.s32 $0xffff, v51  }
0x48: {  	v57 =	vbroadcast v38, $0xF;
	[tilespmem:s10+$0x200] =	vst v3;
	v3 =	vnsel vm0, $0x0, v54;
	v56 =	vbroadcast v19, $0xF  }
0x49: {  	v58 =	vadd.s32 $0xFFFFFFFF, v39;
	v3 =	vsel vm8, v3, v55;
	vm8 =	vcmask $0x720  }
0x4a: {  	[tilespmem:$0x400] =	vst v2;
	v50, _, _ =	vpop (xrf0);
	vm2 =	vnez.u8 v53;
	v3 =	vsel vm8, v3, v56;
	v59 =	vbroadcast v45, $0xF  }
0x4b: {  	v52 =	vadd.s32 $0xFFFFFFFF, v50;
	v1 =	vld.idx.msk [tilespmem:v1+s8+$0x0], $0xffff;
	v3 =	vsel vm3, v3, v57;
	v60 =	vbroadcast v50, $0xF  }
0x4c: {  	v6 =	vsel vm2, v52, v6;
	vm2 =	vmmov vm15;
	v3 =	vsel vm4, v3, v59  }
0x4d: {  	v61 =	vbroadcast v39, $0xF;
	vm2 =	vmmov vm2;
	v3 =	vsel vm5, v3, v60;
	v62, _, _ =	vpop (xrf0)  }
0x4e: {  	v5 =	vsel vm2, v58, v6;
	v63 =	vbroadcast v62, $0xF;
	v8 =	vadd.s32 $0xFFFFFFFF, v62  }
0x4f: {  	v3 =	vsel vm6, v3, v61;
	v5 =	vsel vm1, v8, v5  }
0x50: {  	v3 =	vsel vm7, v3, v63;
	v1 =	vadd.s32 v1, v5  }
0x51: {  	v2 =	vadd.s32 v2, v3;
	[tilespmem:s11+$0x200] =	vst v1  }
0x52: {  	s10 =	simm.s32 @!p0 $0x0;
	s11 =	simm.s32 @!p0 $0x200;
	[tilespmem:$0x480] =	vst v2  }
0x53: {  	[hbm4b:s4+s10] =	stream.linear.scatter @!p0 [tilespmem:s11], [sflag:$0x1], $0x200, $0x38;
	[tilespmem:$0x500] =	vst v63  }
0x54: {  	s11 =	simm.s32 @!p0 $0x1  }
0x55: {  	s9 =	sadd.s32 $0x1, s9;
	_ =	swait.ge @!p0 [sflag:s11], $0x200  }
0x56: {  	p1 =	sne.s32 s9, s6;
	[sflag:s11] =	ssyncset.done @!p0 $0x0  }
.Ltmp1:
0x57: {  	s12 =	simm.s32 @!p0 $0x480;
	[sflag:s11] =	ssyncadd.s32 @!p0 $0xFFFFFE00;
	(pc) =	sbr.rel @p1 .LBB2_1-.Ltmp1, $4  }
0x58: {  	[hbm4b:s5+s10] =	stream.linear.scatter @!p0 [tilespmem:s12], [sflag:$0x1], $0x80, $0x38;
	[tilespmem:$0x500] =	vst v63  }
0x59: {  	_ =	swait.ge @!p0 [sflag:s11], $0x80  }
0x5a: {  	[sflag:s11] =	ssyncset.done @!p0 $0x0  }
0x5b: {  	[sflag:s11] =	ssyncadd.s32 @!p0 $0xFFFFFF80  }
0x5c: {  	_ =	sfence.sel $0x180000  }
0x5d: {  	[bflag:$0x0] =	sbarrier.arrive $0xFFFF  }
0x5e: {  	p0 =	sne.s32 s1, $0x0;
	_ =	strace $0x90000047  }
0x5f: {  	s0 =	sadd.s32 @!p0 $0x100000, s0;
	[bflag:$0x2] =	sbarrier.arrive $0xFFFF  }
0x60: {  	[sflag:s0] =	ssyncadd.tile.s32 @!p0 $0x1;
	_ =	shalt  }
.Lfunc_end2:
_tile_overlayer_lowered:
.L_overlay_start_2:
0x61: {  	(tag) =	ssettag $0x2  }
0x62: {  	s0 =	rddreg [dreg:$0x0];
	s2 =	stileid.u32  }
0x63: {  	s1 =	rddreg [dreg:$0x1];
	p0 =	sne.s32 s2, $0x0  }
0x64: {  	s3 =	rddreg [dreg:$0x2];
	[bflag:$0x3] =	sbarrier.arrive $0xFFFF;
	s2 =	simm.s32 @!p0 $0x1C01  }
0x65: {  	[timem:s3], [sflag:s2] =	dma.local @!p0 [hbm:s0], s1  }
0x66: {  	s0 =	simm.s32 @!p0 $0x1  }
0x67: {  	_ =	swait.ge @!p0 [sflag:s0], s1  }
0x68: {  	s1 =	ssub.s32 @!p0 $0x0, s1;
	[sflag:s0] =	ssyncset.done @!p0 $0x0  }
0x69: {  	[sflag:s0] =	ssyncadd.s32 @!p0 s1  }
0x6a: {  	[bflag:$0x3] =	sbarrier.arrive $0xFFFF  }
0x6b: {  	_ =	shalt  }

</sc_bundles>
